<compile_context>
chip_gen: v7x
topology: tpu7x:2x2x1
jax: 0.10.2.dev20260603
libtpu: 0.0.44.dev20260713+nightly
codegen_flags: <defaults>
</compile_context>

<pallas_src>
import functools

import jax
import jax.numpy as jnp
from jax import lax
from jax.experimental import pallas as pl
from jax.experimental.pallas import tpu as pltpu
from jax.experimental.pallas import tpu_sc as plsc

N_NODES = 10000
D_IN = 256
HALF = 128
NC = 2
NS = 16
L = 16
CHUNK = 128
NSH = N_NODES + 112
GARBAGE_ROW = N_NODES


def _sc_segment_sum(table2, srcp, dstp, zrows):
    e_pad = srcp.shape[0]
    ept = e_pad // NS
    nch = ept // CHUNK
    rpt = NSH // NS

    mesh = plsc.VectorSubcoreMesh(core_axis_name="c", subcore_axis_name="s")

    @functools.partial(
        pl.kernel,
        out_type=jax.ShapeDtypeStruct((NC * NSH, HALF), jnp.float32),
        mesh=mesh,
        scratch_types=[
            pltpu.VMEM((CHUNK,), jnp.int32),
            pltpu.VMEM((CHUNK,), jnp.int32),
            pltpu.VMEM((CHUNK, HALF), jnp.float32),
            pltpu.VMEM_SHARED((NSH, HALF), jnp.float32),
            pltpu.SemaphoreType.DMA,
        ],
    )
    def k(table_h, src_h, dst_h, z_h, out_h, srcv, dstv, rows, acc, sem):
        c = lax.axis_index("c")
        s = lax.axis_index("s")
        r0 = s * rpt
        pltpu.sync_copy(z_h.at[pl.ds(r0, rpt)], acc.at[pl.ds(r0, rpt)])
        plsc.subcore_barrier()

        base = s * ept

        def body(j, carry):
            e0 = base + j * CHUNK
            pltpu.sync_copy(src_h.at[pl.ds(e0, CHUNK)], srcv)
            for i in range(CHUNK // L):
                sl = pl.ds(i * L, L)
                srcv[sl] = srcv[sl] * 2 + c
            pltpu.sync_copy(dst_h.at[pl.ds(e0, CHUNK)], dstv)
            pltpu.async_copy(table_h.at[srcv], rows, sem).wait()
            pltpu.sync_copy(rows, acc.at[dstv], add=True)
            return carry

        lax.fori_loop(0, nch, body, 0)
        plsc.subcore_barrier()
        pltpu.sync_copy(acc.at[pl.ds(r0, rpt)],
                        out_h.at[pl.ds(c * NSH + r0, rpt)])

    return k(table2, srcp, dstp, zrows)


def _tc_mlp(xv, agg, Wa, ba, Wb, bb, relu_out, d_out, rows_per_block):
    n = xv.shape[0]
    grid = n // rows_per_block
    r = rows_per_block
    split_out = d_out == D_IN

    def body(x_ref, a_ref, wa_ref, ba_ref, wb_ref, bb_ref, o_ref):
        hin = jnp.concatenate(
            [x_ref[:, 0, :] + a_ref[0], x_ref[:, 1, :] + a_ref[1]], axis=1)
        t = jnp.dot(hin, wa_ref[...], preferred_element_type=jnp.float32)
        t = jnp.maximum(t + ba_ref[...], 0.0)
        h = jnp.dot(t, wb_ref[...], preferred_element_type=jnp.float32)
        h = h + bb_ref[...]
        if relu_out:
            h = jnp.maximum(h, 0.0)
        if split_out:
            o_ref[:, 0, :] = h[:, :HALF]
            o_ref[:, 1, :] = h[:, HALF:]
        else:
            o_ref[...] = h

    if split_out:
        out_shape = jax.ShapeDtypeStruct((n, 2, HALF), jnp.float32)
        out_spec = pl.BlockSpec((r, 2, HALF), lambda i: (i, 0, 0))
    else:
        out_shape = jax.ShapeDtypeStruct((n, d_out), jnp.float32)
        out_spec = pl.BlockSpec((r, d_out), lambda i: (i, 0))

    return pl.pallas_call(
        body,
        grid=(grid,),
        in_specs=[
            pl.BlockSpec((r, 2, HALF), lambda i: (i, 0, 0)),
            pl.BlockSpec((2, r, HALF), lambda i: (0, i, 0)),
            pl.BlockSpec(Wa.shape, lambda i: (0, 0)),
            pl.BlockSpec((1, D_IN), lambda i: (0, 0)),
            pl.BlockSpec(Wb.shape, lambda i: (0, 0)),
            pl.BlockSpec((1, d_out), lambda i: (0, 0)),
        ],
        out_specs=out_spec,
        out_shape=out_shape,
    )(xv, agg, Wa, ba.reshape(1, D_IN), Wb, bb.reshape(1, d_out))


def kernel(x, edge_index, W1a, b1a, W1b, b1b, W2a, b2a, W2b, b2b):
    n = x.shape[0]
    e = edge_index.shape[1]
    src = edge_index[0].astype(jnp.int32)
    dst = edge_index[1].astype(jnp.int32)

    step = NS * CHUNK
    e_pad = ((e + step - 1) // step) * step
    pad = e_pad - e
    srcp = jnp.concatenate([src, jnp.zeros((pad,), jnp.int32)])
    dstp = jnp.concatenate([dst, jnp.full((pad,), GARBAGE_ROW, jnp.int32)])
    zrows = jnp.zeros((NSH, HALF), jnp.float32)

    xv = x.reshape(n, 2, HALF)

    agg1 = _sc_segment_sum(xv.reshape(2 * n, HALF), srcp, dstp, zrows)
    agg1 = agg1.reshape(NC, NSH, HALF)
    h = _tc_mlp(xv, agg1, W1a, b1a, W1b, b1b,
                relu_out=True, d_out=D_IN, rows_per_block=1000)

    agg2 = _sc_segment_sum(h.reshape(2 * n, HALF), srcp, dstp, zrows)
    agg2 = agg2.reshape(NC, NSH, HALF)
    out = _tc_mlp(h, agg2, W2a, b2a, W2b, b2b,
                  relu_out=False, d_out=64, rows_per_block=1000)
    return out

# --- scband reference (transcript-rebuilt; emitter-appended) ---
"""Pipeline reference for scband-gin-23227183137263 (READ-ONLY COPY).

The authoritative reference and input builder live on the scoring server;
editing this copy changes nothing except your own understanding.
"""

import jax, jax.numpy as jnp
import numpy as np

N = 10000
E = 160000
D_IN = 256
D_HID = 256
D_OUT = 64

def setup_inputs(seed: int = 0) -> dict:
    key = jax.random.key(seed)
    ks = jax.random.split(key, 10)
    x = jax.random.normal(ks[0], (N, D_IN), dtype=jnp.float32)
    edge_index = jax.random.randint(ks[1], (2, E), 0, N, dtype=jnp.int64)
    # GINConv1 MLP: Linear(D_IN, D_HID), ReLU, Linear(D_HID, D_HID)
    s1 = 1.0 / np.sqrt(D_IN)
    W1a = jax.random.uniform(ks[2], (D_IN, D_HID), jnp.float32, -s1, s1)
    b1a = jax.random.uniform(ks[3], (D_HID,), jnp.float32, -s1, s1)
    s2 = 1.0 / np.sqrt(D_HID)
    W1b = jax.random.uniform(ks[4], (D_HID, D_HID), jnp.float32, -s2, s2)
    b1b = jax.random.uniform(ks[5], (D_HID,), jnp.float32, -s2, s2)
    # GINConv2 MLP: Linear(D_HID, D_HID), ReLU, Linear(D_HID, D_OUT)
    W2a = jax.random.uniform(ks[6], (D_HID, D_HID), jnp.float32, -s2, s2)
    b2a = jax.random.uniform(ks[7], (D_HID,), jnp.float32, -s2, s2)
    W2b = jax.random.uniform(ks[8], (D_HID, D_OUT), jnp.float32, -s2, s2)
    b2b = jax.random.uniform(ks[9], (D_OUT,), jnp.float32, -s2, s2)
    return {"x": x, "edge_index": edge_index, "W1a": W1a, "b1a": b1a, "W1b": W1b, "b1b": b1b, "W2a": W2a, "b2a": b2a, "W2b": W2b, "b2b": b2b}

def _gin_conv(x, edge_index, Wa, ba, Wb, bb, eps=0.0):
    src = edge_index[0]
    dst = edge_index[1]
    # sum-aggregate messages x[src] into dst nodes (PyG GINConv default sum aggr)
    agg = jnp.zeros_like(x).at[dst].add(x[src])
    h = (1.0 + eps) * x + agg
    h = h @ Wa + ba
    h = jax.nn.relu(h)
    h = h @ Wb + bb
    return h

def reference(x, edge_index, W1a, b1a, W1b, b1b, W2a, b2a, W2b, b2b):
    h = _gin_conv(x, edge_index, W1a, b1a, W1b, b1b)
    h = jax.nn.relu(h)
    # F.dropout(p=0.5, training=self.training): identity in eval mode
    out = _gin_conv(h, edge_index, W2a, b2a, W2b, b2b)
    return out

if __name__ == "__main__":
    import jax
    _d = setup_inputs()
    print(jax.jit(kernel)(*tuple(_d.values())))

</pallas_src>

<mosaic_0001>
#map = affine_map<(d0, d1) -> (0, 0)>
#map1 = affine_map<(d0, d1) -> (0)>
module attributes {stable_mosaic.version = 14 : i64} {
  func.func @k(%arg0: i32, %arg1: i32, %arg2: memref<20000x128xf32, #tpu.memory_space<hbm>>, %arg3: memref<161792xi32, #tpu.memory_space<hbm>>, %arg4: memref<161792xi32, #tpu.memory_space<hbm>>, %arg5: memref<10112x128xf32, #tpu.memory_space<hbm>>, %arg6: memref<20224x128xf32, #tpu.memory_space<hbm>>, %arg7: memref<128xi32, #tpu.memory_space<vmem>>, %arg8: memref<128xi32, #tpu.memory_space<vmem>>, %arg9: memref<128x128xf32, #tpu.memory_space<vmem>>, %arg10: memref<10112x128xf32, #tpu.memory_space<vmem_shared>>, %arg11: memref<!tpu.dma_semaphore, #tpu.memory_space<semaphore_mem>>) attributes {dimension_semantics = [#tpu.dimension_semantics<core_parallel>, #tpu.dimension_semantics<subcore_parallel>], iteration_bounds = array<i64: 2, 16>, scalar_prefetch = 0 : i64, scratch_operands = 5 : i64, tpu.core_type = #tpu.core_type<sc_vector_subcore>, window_params = [{transform_indices = #map}, {transform_indices = #map1}, {transform_indices = #map1}, {transform_indices = #map}, {transform_indices = #map}]} {
    %mul3A = arith.constant 632 : i32
    %mul3A_0 = arith.muli %arg1, %mul3A : i32
    "tpu.region"() ({
      %run_scoped3A = tpu.sem_alloc : memref<!tpu.dma_semaphore, #tpu.memory_space<semaphore_mem>>
      %dma_start3A = arith.constant 0 : i32
      %dma_start3A_11 = tpu.memref_slice %arg10[%mul3A_0, %dma_start3A] : memref<10112x128xf32, #tpu.memory_space<vmem_shared>> -> memref<632x128xf32, #tpu.memory_space<vmem_shared>>
      %dma_start3A_12 = arith.constant 0 : i32
      %dma_start3A_13 = tpu.memref_slice %arg5[%mul3A_0, %dma_start3A_12] : memref<10112x128xf32, #tpu.memory_space<hbm>> -> memref<632x128xf32, #tpu.memory_space<hbm>>
      tpu.enqueue_dma source(%dma_start3A_13 : memref<632x128xf32, #tpu.memory_space<hbm>>) target(%dma_start3A_11 : memref<632x128xf32, #tpu.memory_space<vmem_shared>>) target_semaphore(%run_scoped3A : memref<!tpu.dma_semaphore, #tpu.memory_space<semaphore_mem>>)
      %dma_wait3A = arith.constant 0 : i32
      %dma_wait3A_14 = tpu.memref_slice %arg10[%mul3A_0, %dma_wait3A] : memref<10112x128xf32, #tpu.memory_space<vmem_shared>> -> memref<632x128xf32, #tpu.memory_space<vmem_shared>>
      %dma_wait3A_15 = arith.constant 0 : i32
      %dma_wait3A_16 = tpu.memref_slice %arg5[%mul3A_0, %dma_wait3A_15] : memref<10112x128xf32, #tpu.memory_space<hbm>> -> memref<632x128xf32, #tpu.memory_space<hbm>>
      tpu.wait_dma2 semaphore(%run_scoped3A : memref<!tpu.dma_semaphore, #tpu.memory_space<semaphore_mem>>) src(%dma_wait3A_16 : memref<632x128xf32, #tpu.memory_space<hbm>>) dst(%dma_wait3A_14 : memref<632x128xf32, #tpu.memory_space<vmem_shared>>)
      tpu.yield
    }) : () -> ()
    %barrier3A = arith.constant 0 : index
    tpu.barrier barrier_id(%barrier3A)
    %mul3A_1 = arith.constant 10112 : i32
    %mul3A_2 = arith.muli %arg1, %mul3A_1 : i32
    %scan3A = arith.constant 0 : i32
    %scan3A_3 = arith.constant 0 : i32
    %scan3A_4 = arith.constant 79 : i32
    %scan3A_5 = arith.addi %scan3A_3, %scan3A_4 : i32
    %scan3A_6 = arith.constant 1 : i32
    scf.for %scan3A_11 = %scan3A_3 to %scan3A_5 step %scan3A_6  : i32 {
      %mul3A_12 = arith.constant 128 : i32
      %mul3A_13 = arith.muli %scan3A_11, %mul3A_12 : i32
      %add3A_14 = arith.addi %mul3A_2, %mul3A_13 : i32
      "tpu.region"() ({
        %run_scoped3A = tpu.sem_alloc : memref<!tpu.dma_semaphore, #tpu.memory_space<semaphore_mem>>
        %dma_start3A_113 = tpu.memref_slice %arg3[%add3A_14] : memref<161792xi32, #tpu.memory_space<hbm>> -> memref<128xi32, #tpu.memory_space<hbm>>
        %dma_start3A_114 = tpu.memref_slice %arg3[%add3A_14] : memref<161792xi32, #tpu.memory_space<hbm>> -> memref<128xi32, #tpu.memory_space<hbm>>
        tpu.enqueue_dma source(%dma_start3A_114 : memref<128xi32, #tpu.memory_space<hbm>>) target(%arg7 : memref<128xi32, #tpu.memory_space<vmem>>) target_semaphore(%run_scoped3A : memref<!tpu.dma_semaphore, #tpu.memory_space<semaphore_mem>>)
        %dma_wait3A_115 = tpu.memref_slice %arg3[%add3A_14] : memref<161792xi32, #tpu.memory_space<hbm>> -> memref<128xi32, #tpu.memory_space<hbm>>
        %dma_wait3A_116 = tpu.memref_slice %arg3[%add3A_14] : memref<161792xi32, #tpu.memory_space<hbm>> -> memref<128xi32, #tpu.memory_space<hbm>>
        tpu.wait_dma2 semaphore(%run_scoped3A : memref<!tpu.dma_semaphore, #tpu.memory_space<semaphore_mem>>) src(%dma_wait3A_116 : memref<128xi32, #tpu.memory_space<hbm>>) dst(%arg7 : memref<128xi32, #tpu.memory_space<vmem>>)
        tpu.yield
      }) : () -> ()
      %get3A = arith.constant 0 : index
      %get3A_15 = tpu.vector_load %arg7[%get3A] {strides = array<i32>} : memref<128xi32, #tpu.memory_space<vmem>>, vector<16xi32>,
      %get3A_16 = vector.shape_cast %get3A_15 : vector<16xi32> to vector<16xi32>
      %mul3A_17 = arith.constant 2 : i32
      %mul3A_18 = vector.broadcast %mul3A_17 : i32 to vector<16xi32>
      %mul3A_19 = arith.muli %get3A_16, %mul3A_18 : vector<16xi32>
      %add3A_20 = vector.broadcast %arg0 : i32 to vector<16xi32>
      %add3A_21 = arith.addi %mul3A_19, %add3A_20 : vector<16xi32>
      %swap3A = arith.constant 0 : index
      %swap3A_22 = tpu.vector_load %arg7[%swap3A] {strides = array<i32>} : memref<128xi32, #tpu.memory_space<vmem>>, vector<16xi32>,
      %swap3A_23 = vector.shape_cast %swap3A_22 : vector<16xi32> to vector<16xi32>
      %swap3A_24 = vector.shape_cast %add3A_21 : vector<16xi32> to vector<16xi32>
      tpu.vector_store %arg7[%swap3A], %swap3A_24 {strides = array<i32>} : memref<128xi32, #tpu.memory_space<vmem>>, vector<16xi32>,
      %get3A_25 = arith.constant 16 : index
      %get3A_26 = tpu.vector_load %arg7[%get3A_25] {strides = array<i32>} : memref<128xi32, #tpu.memory_space<vmem>>, vector<16xi32>,
      %get3A_27 = vector.shape_cast %get3A_26 : vector<16xi32> to vector<16xi32>
      %mul3A_28 = arith.constant 2 : i32
      %mul3A_29 = vector.broadcast %mul3A_28 : i32 to vector<16xi32>
      %mul3A_30 = arith.muli %get3A_27, %mul3A_29 : vector<16xi32>
      %add3A_31 = vector.broadcast %arg0 : i32 to vector<16xi32>
      %add3A_32 = arith.addi %mul3A_30, %add3A_31 : vector<16xi32>
      %swap3A_33 = arith.constant 16 : index
      %swap3A_34 = tpu.vector_load %arg7[%swap3A_33] {strides = array<i32>} : memref<128xi32, #tpu.memory_space<vmem>>, vector<16xi32>,
      %swap3A_35 = vector.shape_cast %swap3A_34 : vector<16xi32> to vector<16xi32>
      %swap3A_36 = vector.shape_cast %add3A_32 : vector<16xi32> to vector<16xi32>
      tpu.vector_store %arg7[%swap3A_33], %swap3A_36 {strides = array<i32>} : memref<128xi32, #tpu.memory_space<vmem>>, vector<16xi32>,
      %get3A_37 = arith.constant 32 : index
      %get3A_38 = tpu.vector_load %arg7[%get3A_37] {strides = array<i32>} : memref<128xi32, #tpu.memory_space<vmem>>, vector<16xi32>,
      %get3A_39 = vector.shape_cast %get3A_38 : vector<16xi32> to vector<16xi32>
      %mul3A_40 = arith.constant 2 : i32
      %mul3A_41 = vector.broadcast %mul3A_40 : i32 to vector<16xi32>
      %mul3A_42 = arith.muli %get3A_39, %mul3A_41 : vector<16xi32>
      %add3A_43 = vector.broadcast %arg0 : i32 to vector<16xi32>
      %add3A_44 = arith.addi %mul3A_42, %add3A_43 : vector<16xi32>
      %swap3A_45 = arith.constant 32 : index
      %swap3A_46 = tpu.vector_load %arg7[%swap3A_45] {strides = array<i32>} : memref<128xi32, #tpu.memory_space<vmem>>, vector<16xi32>,
      %swap3A_47 = vector.shape_cast %swap3A_46 : vector<16xi32> to vector<16xi32>
      %swap3A_48 = vector.shape_cast %add3A_44 : vector<16xi32> to vector<16xi32>
      tpu.vector_store %arg7[%swap3A_45], %swap3A_48 {strides = array<i32>} : memref<128xi32, #tpu.memory_space<vmem>>, vector<16xi32>,
      %get3A_49 = arith.constant 48 : index
      %get3A_50 = tpu.vector_load %arg7[%get3A_49] {strides = array<i32>} : memref<128xi32, #tpu.memory_space<vmem>>, vector<16xi32>,
      %get3A_51 = vector.shape_cast %get3A_50 : vector<16xi32> to vector<16xi32>
      %mul3A_52 = arith.constant 2 : i32
      %mul3A_53 = vector.broadcast %mul3A_52 : i32 to vector<16xi32>
      %mul3A_54 = arith.muli %get3A_51, %mul3A_53 : vector<16xi32>
      %add3A_55 = vector.broadcast %arg0 : i32 to vector<16xi32>
      %add3A_56 = arith.addi %mul3A_54, %add3A_55 : vector<16xi32>
      %swap3A_57 = arith.constant 48 : index
      %swap3A_58 = tpu.vector_load %arg7[%swap3A_57] {strides = array<i32>} : memref<128xi32, #tpu.memory_space<vmem>>, vector<16xi32>,
      %swap3A_59 = vector.shape_cast %swap3A_58 : vector<16xi32> to vector<16xi32>
      %swap3A_60 = vector.shape_cast %add3A_56 : vector<16xi32> to vector<16xi32>
      tpu.vector_store %arg7[%swap3A_57], %swap3A_60 {strides = array<i32>} : memref<128xi32, #tpu.memory_space<vmem>>, vector<16xi32>,
      %get3A_61 = arith.constant 64 : index
      %get3A_62 = tpu.vector_load %arg7[%get3A_61] {strides = array<i32>} : memref<128xi32, #tpu.memory_space<vmem>>, vector<16xi32>,
      %get3A_63 = vector.shape_cast %get3A_62 : vector<16xi32> to vector<16xi32>
      %mul3A_64 = arith.constant 2 : i32
      %mul3A_65 = vector.broadcast %mul3A_64 : i32 to vector<16xi32>
      %mul3A_66 = arith.muli %get3A_63, %mul3A_65 : vector<16xi32>
      %add3A_67 = vector.broadcast %arg0 : i32 to vector<16xi32>
      %add3A_68 = arith.addi %mul3A_66, %add3A_67 : vector<16xi32>
      %swap3A_69 = arith.constant 64 : index
      %swap3A_70 = tpu.vector_load %arg7[%swap3A_69] {strides = array<i32>} : memref<128xi32, #tpu.memory_space<vmem>>, vector<16xi32>,
      %swap3A_71 = vector.shape_cast %swap3A_70 : vector<16xi32> to vector<16xi32>
      %swap3A_72 = vector.shape_cast %add3A_68 : vector<16xi32> to vector<16xi32>
      tpu.vector_store %arg7[%swap3A_69], %swap3A_72 {strides = array<i32>} : memref<128xi32, #tpu.memory_space<vmem>>, vector<16xi32>,
      %get3A_73 = arith.constant 80 : index
      %get3A_74 = tpu.vector_load %arg7[%get3A_73] {strides = array<i32>} : memref<128xi32, #tpu.memory_space<vmem>>, vector<16xi32>,
      %get3A_75 = vector.shape_cast %get3A_74 : vector<16xi32> to vector<16xi32>
      %mul3A_76 = arith.constant 2 : i32
      %mul3A_77 = vector.broadcast %mul3A_76 : i32 to vector<16xi32>
      %mul3A_78 = arith.muli %get3A_75, %mul3A_77 : vector<16xi32>
      %add3A_79 = vector.broadcast %arg0 : i32 to vector<16xi32>
      %add3A_80 = arith.addi %mul3A_78, %add3A_79 : vector<16xi32>
      %swap3A_81 = arith.constant 80 : index
      %swap3A_82 = tpu.vector_load %arg7[%swap3A_81] {strides = array<i32>} : memref<128xi32, #tpu.memory_space<vmem>>, vector<16xi32>,
      %swap3A_83 = vector.shape_cast %swap3A_82 : vector<16xi32> to vector<16xi32>
      %swap3A_84 = vector.shape_cast %add3A_80 : vector<16xi32> to vector<16xi32>
      tpu.vector_store %arg7[%swap3A_81], %swap3A_84 {strides = array<i32>} : memref<128xi32, #tpu.memory_space<vmem>>, vector<16xi32>,
      %get3A_85 = arith.constant 96 : index
      %get3A_86 = tpu.vector_load %arg7[%get3A_85] {strides = array<i32>} : memref<128xi32, #tpu.memory_space<vmem>>, vector<16xi32>,
      %get3A_87 = vector.shape_cast %get3A_86 : vector<16xi32> to vector<16xi32>
      %mul3A_88 = arith.constant 2 : i32
      %mul3A_89 = vector.broadcast %mul3A_88 : i32 to vector<16xi32>
      %mul3A_90 = arith.muli %get3A_87, %mul3A_89 : vector<16xi32>
      %add3A_91 = vector.broadcast %arg0 : i32 to vector<16xi32>
      %add3A_92 = arith.addi %mul3A_90, %add3A_91 : vector<16xi32>
      %swap3A_93 = arith.constant 96 : index
      %swap3A_94 = tpu.vector_load %arg7[%swap3A_93] {strides = array<i32>} : memref<128xi32, #tpu.memory_space<vmem>>, vector<16xi32>,
      %swap3A_95 = vector.shape_cast %swap3A_94 : vector<16xi32> to vector<16xi32>
      %swap3A_96 = vector.shape_cast %add3A_92 : vector<16xi32> to vector<16xi32>
      tpu.vector_store %arg7[%swap3A_93], %swap3A_96 {strides = array<i32>} : memref<128xi32, #tpu.memory_space<vmem>>, vector<16xi32>,
      %get3A_97 = arith.constant 112 : index
      %get3A_98 = tpu.vector_load %arg7[%get3A_97] {strides = array<i32>} : memref<128xi32, #tpu.memory_space<vmem>>, vector<16xi32>,
      %get3A_99 = vector.shape_cast %get3A_98 : vector<16xi32> to vector<16xi32>
      %mul3A_100 = arith.constant 2 : i32
      %mul3A_101 = vector.broadcast %mul3A_100 : i32 to vector<16xi32>
      %mul3A_102 = arith.muli %get3A_99, %mul3A_101 : vector<16xi32>
      %add3A_103 = vector.broadcast %arg0 : i32 to vector<16xi32>
      %add3A_104 = arith.addi %mul3A_102, %add3A_103 : vector<16xi32>
      %swap3A_105 = arith.constant 112 : index
      %swap3A_106 = tpu.vector_load %arg7[%swap3A_105] {strides = array<i32>} : memref<128xi32, #tpu.memory_space<vmem>>, vector<16xi32>,
      %swap3A_107 = vector.shape_cast %swap3A_106 : vector<16xi32> to vector<16xi32>
      %swap3A_108 = vector.shape_cast %add3A_104 : vector<16xi32> to vector<16xi32>
      tpu.vector_store %arg7[%swap3A_105], %swap3A_108 {strides = array<i32>} : memref<128xi32, #tpu.memory_space<vmem>>, vector<16xi32>,
      "tpu.region"() ({
        %run_scoped3A = tpu.sem_alloc : memref<!tpu.dma_semaphore, #tpu.memory_space<semaphore_mem>>
        %dma_start3A_113 = tpu.memref_slice %arg4[%add3A_14] : memref<161792xi32, #tpu.memory_space<hbm>> -> memref<128xi32, #tpu.memory_space<hbm>>
        %dma_start3A_114 = tpu.memref_slice %arg4[%add3A_14] : memref<161792xi32, #tpu.memory_space<hbm>> -> memref<128xi32, #tpu.memory_space<hbm>>
        tpu.enqueue_dma source(%dma_start3A_114 : memref<128xi32, #tpu.memory_space<hbm>>) target(%arg8 : memref<128xi32, #tpu.memory_space<vmem>>) target_semaphore(%run_scoped3A : memref<!tpu.dma_semaphore, #tpu.memory_space<semaphore_mem>>)
        %dma_wait3A_115 = tpu.memref_slice %arg4[%add3A_14] : memref<161792xi32, #tpu.memory_space<hbm>> -> memref<128xi32, #tpu.memory_space<hbm>>
        %dma_wait3A_116 = tpu.memref_slice %arg4[%add3A_14] : memref<161792xi32, #tpu.memory_space<hbm>> -> memref<128xi32, #tpu.memory_space<hbm>>
        tpu.wait_dma2 semaphore(%run_scoped3A : memref<!tpu.dma_semaphore, #tpu.memory_space<semaphore_mem>>) src(%dma_wait3A_116 : memref<128xi32, #tpu.memory_space<hbm>>) dst(%arg8 : memref<128xi32, #tpu.memory_space<vmem>>)
        tpu.yield
      }) : () -> ()
      %dma_start3A = arith.constant 0 : i32
      %dma_start3A_109 = arith.constant 0 : i32
      %dma_start3A_110 = tpu.memref_slice %arg2[%dma_start3A, %dma_start3A_109] : memref<20000x128xf32, #tpu.memory_space<hbm>> -> memref<20000x128xf32, #tpu.memory_space<hbm>>
      tpu.enqueue_indirect_dma source(%dma_start3A_110 : memref<20000x128xf32, #tpu.memory_space<hbm>>) target(%arg9 : memref<128x128xf32, #tpu.memory_space<vmem>>) offsets(%arg7 : memref<128xi32, #tpu.memory_space<vmem>>) semaphore(%arg11 : memref<!tpu.dma_semaphore, #tpu.memory_space<semaphore_mem>>)
      %dma_wait3A = arith.constant 0 : i32
      %dma_wait3A_111 = arith.constant 0 : i32
      %dma_wait3A_112 = tpu.memref_slice %arg2[%dma_wait3A, %dma_wait3A_111] : memref<20000x128xf32, #tpu.memory_space<hbm>> -> memref<20000x128xf32, #tpu.memory_space<hbm>>
      tpu.wait_indirect_dma semaphore(%arg11 : memref<!tpu.dma_semaphore, #tpu.memory_space<semaphore_mem>>) src(%dma_wait3A_112 : memref<20000x128xf32, #tpu.memory_space<hbm>>) dst(%arg9 : memref<128x128xf32, #tpu.memory_space<vmem>>)
      "tpu.region"() ({
        %run_scoped3A = tpu.sem_alloc : memref<!tpu.dma_semaphore, #tpu.memory_space<semaphore_mem>>
        %dma_start3A_113 = arith.constant 0 : i32
        %dma_start3A_114 = arith.constant 0 : i32
        %dma_start3A_115 = tpu.memref_slice %arg10[%dma_start3A_113, %dma_start3A_114] : memref<10112x128xf32, #tpu.memory_space<vmem_shared>> -> memref<10112x128xf32, #tpu.memory_space<vmem_shared>>
        tpu.enqueue_indirect_dma source(%arg9 : memref<128x128xf32, #tpu.memory_space<vmem>>) target(%dma_start3A_115 : memref<10112x128xf32, #tpu.memory_space<vmem_shared>>) offsets(%arg8 : memref<128xi32, #tpu.memory_space<vmem>>) semaphore(%run_scoped3A : memref<!tpu.dma_semaphore, #tpu.memory_space<semaphore_mem>>) {add = true}
        %dma_wait3A_116 = arith.constant 0 : i32
        %dma_wait3A_117 = arith.constant 0 : i32
        %dma_wait3A_118 = tpu.memref_slice %arg10[%dma_wait3A_116, %dma_wait3A_117] : memref<10112x128xf32, #tpu.memory_space<vmem_shared>> -> memref<10112x128xf32, #tpu.memory_space<vmem_shared>>
        tpu.wait_indirect_dma semaphore(%run_scoped3A : memref<!tpu.dma_semaphore, #tpu.memory_space<semaphore_mem>>) src(%arg9 : memref<128x128xf32, #tpu.memory_space<vmem>>) dst(%dma_wait3A_118 : memref<10112x128xf32, #tpu.memory_space<vmem_shared>>)
        tpu.yield
      }) : () -> ()
    }
    %scan3A_7 = arith.constant 79 : i32
    %barrier3A_8 = arith.constant 0 : index
    tpu.barrier barrier_id(%barrier3A_8)
    %mul3A_9 = arith.constant 10112 : i32
    %mul3A_10 = arith.muli %arg0, %mul3A_9 : i32
    %add3A = arith.addi %mul3A_10, %mul3A_0 : i32
    "tpu.region"() ({
      %run_scoped3A = tpu.sem_alloc : memref<!tpu.dma_semaphore, #tpu.memory_space<semaphore_mem>>
      %dma_start3A = arith.constant 0 : i32
      %dma_start3A_11 = tpu.memref_slice %arg6[%add3A, %dma_start3A] : memref<20224x128xf32, #tpu.memory_space<hbm>> -> memref<632x128xf32, #tpu.memory_space<hbm>>
      %dma_start3A_12 = arith.constant 0 : i32
      %dma_start3A_13 = tpu.memref_slice %arg10[%mul3A_0, %dma_start3A_12] : memref<10112x128xf32, #tpu.memory_space<vmem_shared>> -> memref<632x128xf32, #tpu.memory_space<vmem_shared>>
      tpu.enqueue_dma source(%dma_start3A_13 : memref<632x128xf32, #tpu.memory_space<vmem_shared>>) target(%dma_start3A_11 : memref<632x128xf32, #tpu.memory_space<hbm>>) target_semaphore(%run_scoped3A : memref<!tpu.dma_semaphore, #tpu.memory_space<semaphore_mem>>)
      %dma_wait3A = arith.constant 0 : i32
      %dma_wait3A_14 = tpu.memref_slice %arg6[%add3A, %dma_wait3A] : memref<20224x128xf32, #tpu.memory_space<hbm>> -> memref<632x128xf32, #tpu.memory_space<hbm>>
      %dma_wait3A_15 = arith.constant 0 : i32
      %dma_wait3A_16 = tpu.memref_slice %arg10[%mul3A_0, %dma_wait3A_15] : memref<10112x128xf32, #tpu.memory_space<vmem_shared>> -> memref<632x128xf32, #tpu.memory_space<vmem_shared>>
      tpu.wait_dma2 semaphore(%run_scoped3A : memref<!tpu.dma_semaphore, #tpu.memory_space<semaphore_mem>>) src(%dma_wait3A_16 : memref<632x128xf32, #tpu.memory_space<vmem_shared>>) dst(%dma_wait3A_14 : memref<632x128xf32, #tpu.memory_space<hbm>>)
      tpu.yield
    }) : () -> ()
    return
  }
}

#map = affine_map<(d0, d1) -> (0, 0)>
#map1 = affine_map<(d0, d1) -> (0)>
module attributes {stable_mosaic.version = 14 : i64} {
  func.func @k(%arg0: i32, %arg1: i32, %arg2: memref<20000x128xf32, #tpu.memory_space<hbm>>, %arg3: memref<161792xi32, #tpu.memory_space<hbm>>, %arg4: memref<161792xi32, #tpu.memory_space<hbm>>, %arg5: memref<10112x128xf32, #tpu.memory_space<hbm>>, %arg6: memref<20224x128xf32, #tpu.memory_space<hbm>>, %arg7: memref<128xi32, #tpu.memory_space<vmem>>, %arg8: memref<128xi32, #tpu.memory_space<vmem>>, %arg9: memref<128x128xf32, #tpu.memory_space<vmem>>, %arg10: memref<10112x128xf32, #tpu.memory_space<vmem_shared>>, %arg11: memref<!tpu.dma_semaphore, #tpu.memory_space<semaphore_mem>>) attributes {dimension_semantics = [#tpu.dimension_semantics<core_parallel>, #tpu.dimension_semantics<subcore_parallel>], iteration_bounds = array<i64: 2, 16>, scalar_prefetch = 0 : i64, scratch_operands = 5 : i64, tpu.core_type = #tpu.core_type<sc_vector_subcore>, window_params = [{transform_indices = #map}, {transform_indices = #map1}, {transform_indices = #map1}, {transform_indices = #map}, {transform_indices = #map}]} {
    %mul3A = arith.constant 632 : i32
    %mul3A_0 = arith.muli %arg1, %mul3A : i32
    "tpu.region"() ({
      %run_scoped3A = tpu.sem_alloc : memref<!tpu.dma_semaphore, #tpu.memory_space<semaphore_mem>>
      %dma_start3A = arith.constant 0 : i32
      %dma_start3A_11 = tpu.memref_slice %arg10[%mul3A_0, %dma_start3A] : memref<10112x128xf32, #tpu.memory_space<vmem_shared>> -> memref<632x128xf32, #tpu.memory_space<vmem_shared>>
      %dma_start3A_12 = arith.constant 0 : i32
      %dma_start3A_13 = tpu.memref_slice %arg5[%mul3A_0, %dma_start3A_12] : memref<10112x128xf32, #tpu.memory_space<hbm>> -> memref<632x128xf32, #tpu.memory_space<hbm>>
      tpu.enqueue_dma source(%dma_start3A_13 : memref<632x128xf32, #tpu.memory_space<hbm>>) target(%dma_start3A_11 : memref<632x128xf32, #tpu.memory_space<vmem_shared>>) target_semaphore(%run_scoped3A : memref<!tpu.dma_semaphore, #tpu.memory_space<semaphore_mem>>)
      %dma_wait3A = arith.constant 0 : i32
      %dma_wait3A_14 = tpu.memref_slice %arg10[%mul3A_0, %dma_wait3A] : memref<10112x128xf32, #tpu.memory_space<vmem_shared>> -> memref<632x128xf32, #tpu.memory_space<vmem_shared>>
      %dma_wait3A_15 = arith.constant 0 : i32
      %dma_wait3A_16 = tpu.memref_slice %arg5[%mul3A_0, %dma_wait3A_15] : memref<10112x128xf32, #tpu.memory_space<hbm>> -> memref<632x128xf32, #tpu.memory_space<hbm>>
      tpu.wait_dma2 semaphore(%run_scoped3A : memref<!tpu.dma_semaphore, #tpu.memory_space<semaphore_mem>>) src(%dma_wait3A_16 : memref<632x128xf32, #tpu.memory_space<hbm>>) dst(%dma_wait3A_14 : memref<632x128xf32, #tpu.memory_space<vmem_shared>>)
      tpu.yield
    }) : () -> ()
    %barrier3A = arith.constant 0 : index
    tpu.barrier barrier_id(%barrier3A)
    %mul3A_1 = arith.constant 10112 : i32
    %mul3A_2 = arith.muli %arg1, %mul3A_1 : i32
    %scan3A = arith.constant 0 : i32
    %scan3A_3 = arith.constant 0 : i32
    %scan3A_4 = arith.constant 79 : i32
    %scan3A_5 = arith.addi %scan3A_3, %scan3A_4 : i32
    %scan3A_6 = arith.constant 1 : i32
    scf.for %scan3A_11 = %scan3A_3 to %scan3A_5 step %scan3A_6  : i32 {
      %mul3A_12 = arith.constant 128 : i32
      %mul3A_13 = arith.muli %scan3A_11, %mul3A_12 : i32
      %add3A_14 = arith.addi %mul3A_2, %mul3A_13 : i32
      "tpu.region"() ({
        %run_scoped3A = tpu.sem_alloc : memref<!tpu.dma_semaphore, #tpu.memory_space<semaphore_mem>>
        %dma_start3A_113 = tpu.memref_slice %arg3[%add3A_14] : memref<161792xi32, #tpu.memory_space<hbm>> -> memref<128xi32, #tpu.memory_space<hbm>>
        %dma_start3A_114 = tpu.memref_slice %arg3[%add3A_14] : memref<161792xi32, #tpu.memory_space<hbm>> -> memref<128xi32, #tpu.memory_space<hbm>>
        tpu.enqueue_dma source(%dma_start3A_114 : memref<128xi32, #tpu.memory_space<hbm>>) target(%arg7 : memref<128xi32, #tpu.memory_space<vmem>>) target_semaphore(%run_scoped3A : memref<!tpu.dma_semaphore, #tpu.memory_space<semaphore_mem>>)
        %dma_wait3A_115 = tpu.memref_slice %arg3[%add3A_14] : memref<161792xi32, #tpu.memory_space<hbm>> -> memref<128xi32, #tpu.memory_space<hbm>>
        %dma_wait3A_116 = tpu.memref_slice %arg3[%add3A_14] : memref<161792xi32, #tpu.memory_space<hbm>> -> memref<128xi32, #tpu.memory_space<hbm>>
        tpu.wait_dma2 semaphore(%run_scoped3A : memref<!tpu.dma_semaphore, #tpu.memory_space<semaphore_mem>>) src(%dma_wait3A_116 : memref<128xi32, #tpu.memory_space<hbm>>) dst(%arg7 : memref<128xi32, #tpu.memory_space<vmem>>)
        tpu.yield
      }) : () -> ()
      %get3A = arith.constant 0 : index
      %get3A_15 = tpu.vector_load %arg7[%get3A] {strides = array<i32>} : memref<128xi32, #tpu.memory_space<vmem>>, vector<16xi32>,
      %get3A_16 = vector.shape_cast %get3A_15 : vector<16xi32> to vector<16xi32>
      %mul3A_17 = arith.constant 2 : i32
      %mul3A_18 = vector.broadcast %mul3A_17 : i32 to vector<16xi32>
      %mul3A_19 = arith.muli %get3A_16, %mul3A_18 : vector<16xi32>
      %add3A_20 = vector.broadcast %arg0 : i32 to vector<16xi32>
      %add3A_21 = arith.addi %mul3A_19, %add3A_20 : vector<16xi32>
      %swap3A = arith.constant 0 : index
      %swap3A_22 = tpu.vector_load %arg7[%swap3A] {strides = array<i32>} : memref<128xi32, #tpu.memory_space<vmem>>, vector<16xi32>,
      %swap3A_23 = vector.shape_cast %swap3A_22 : vector<16xi32> to vector<16xi32>
      %swap3A_24 = vector.shape_cast %add3A_21 : vector<16xi32> to vector<16xi32>
      tpu.vector_store %arg7[%swap3A], %swap3A_24 {strides = array<i32>} : memref<128xi32, #tpu.memory_space<vmem>>, vector<16xi32>,
      %get3A_25 = arith.constant 16 : index
      %get3A_26 = tpu.vector_load %arg7[%get3A_25] {strides = array<i32>} : memref<128xi32, #tpu.memory_space<vmem>>, vector<16xi32>,
      %get3A_27 = vector.shape_cast %get3A_26 : vector<16xi32> to vector<16xi32>
      %mul3A_28 = arith.constant 2 : i32
      %mul3A_29 = vector.broadcast %mul3A_28 : i32 to vector<16xi32>
      %mul3A_30 = arith.muli %get3A_27, %mul3A_29 : vector<16xi32>
      %add3A_31 = vector.broadcast %arg0 : i32 to vector<16xi32>
      %add3A_32 = arith.addi %mul3A_30, %add3A_31 : vector<16xi32>
      %swap3A_33 = arith.constant 16 : index
      %swap3A_34 = tpu.vector_load %arg7[%swap3A_33] {strides = array<i32>} : memref<128xi32, #tpu.memory_space<vmem>>, vector<16xi32>,
      %swap3A_35 = vector.shape_cast %swap3A_34 : vector<16xi32> to vector<16xi32>
      %swap3A_36 = vector.shape_cast %add3A_32 : vector<16xi32> to vector<16xi32>
      tpu.vector_store %arg7[%swap3A_33], %swap3A_36 {strides = array<i32>} : memref<128xi32, #tpu.memory_space<vmem>>, vector<16xi32>,
      %get3A_37 = arith.constant 32 : index
      %get3A_38 = tpu.vector_load %arg7[%get3A_37] {strides = array<i32>} : memref<128xi32, #tpu.memory_space<vmem>>, vector<16xi32>,
      %get3A_39 = vector.shape_cast %get3A_38 : vector<16xi32> to vector<16xi32>
      %mul3A_40 = arith.constant 2 : i32
      %mul3A_41 = vector.broadcast %mul3A_40 : i32 to vector<16xi32>
      %mul3A_42 = arith.muli %get3A_39, %mul3A_41 : vector<16xi32>
      %add3A_43 = vector.broadcast %arg0 : i32 to vector<16xi32>
      %add3A_44 = arith.addi %mul3A_42, %add3A_43 : vector<16xi32>
      %swap3A_45 = arith.constant 32 : index
      %swap3A_46 = tpu.vector_load %arg7[%swap3A_45] {strides = array<i32>} : memref<128xi32, #tpu.memory_space<vmem>>, vector<16xi32>,
      %swap3A_47 = vector.shape_cast %swap3A_46 : vector<16xi32> to vector<16xi32>
      %swap3A_48 = vector.shape_cast %add3A_44 : vector<16xi32> to vector<16xi32>
      tpu.vector_store %arg7[%swap3A_45], %swap3A_48 {strides = array<i32>} : memref<128xi32, #tpu.memory_space<vmem>>, vector<16xi32>,
      %get3A_49 = arith.constant 48 : index
      %get3A_50 = tpu.vector_load %arg7[%get3A_49] {strides = array<i32>} : memref<128xi32, #tpu.memory_space<vmem>>, vector<16xi32>,
      %get3A_51 = vector.shape_cast %get3A_50 : vector<16xi32> to vector<16xi32>
      %mul3A_52 = arith.constant 2 : i32
      %mul3A_53 = vector.broadcast %mul3A_52 : i32 to vector<16xi32>
      %mul3A_54 = arith.muli %get3A_51, %mul3A_53 : vector<16xi32>
      %add3A_55 = vector.broadcast %arg0 : i32 to vector<16xi32>
      %add3A_56 = arith.addi %mul3A_54, %add3A_55 : vector<16xi32>
      %swap3A_57 = arith.constant 48 : index
      %swap3A_58 = tpu.vector_load %arg7[%swap3A_57] {strides = array<i32>} : memref<128xi32, #tpu.memory_space<vmem>>, vector<16xi32>,
      %swap3A_59 = vector.shape_cast %swap3A_58 : vector<16xi32> to vector<16xi32>
      %swap3A_60 = vector.shape_cast %add3A_56 : vector<16xi32> to vector<16xi32>
      tpu.vector_store %arg7[%swap3A_57], %swap3A_60 {strides = array<i32>} : memref<128xi32, #tpu.memory_space<vmem>>, vector<16xi32>,
      %get3A_61 = arith.constant 64 : index
      %get3A_62 = tpu.vector_load %arg7[%get3A_61] {strides = array<i32>} : memref<128xi32, #tpu.memory_space<vmem>>, vector<16xi32>,
      %get3A_63 = vector.shape_cast %get3A_62 : vector<16xi32> to vector<16xi32>
      %mul3A_64 = arith.constant 2 : i32
      %mul3A_65 = vector.broadcast %mul3A_64 : i32 to vector<16xi32>
      %mul3A_66 = arith.muli %get3A_63, %mul3A_65 : vector<16xi32>
      %add3A_67 = vector.broadcast %arg0 : i32 to vector<16xi32>
      %add3A_68 = arith.addi %mul3A_66, %add3A_67 : vector<16xi32>
      %swap3A_69 = arith.constant 64 : index
      %swap3A_70 = tpu.vector_load %arg7[%swap3A_69] {strides = array<i32>} : memref<128xi32, #tpu.memory_space<vmem>>, vector<16xi32>,
      %swap3A_71 = vector.shape_cast %swap3A_70 : vector<16xi32> to vector<16xi32>
      %swap3A_72 = vector.shape_cast %add3A_68 : vector<16xi32> to vector<16xi32>
      tpu.vector_store %arg7[%swap3A_69], %swap3A_72 {strides = array<i32>} : memref<128xi32, #tpu.memory_space<vmem>>, vector<16xi32>,
      %get3A_73 = arith.constant 80 : index
      %get3A_74 = tpu.vector_load %arg7[%get3A_73] {strides = array<i32>} : memref<128xi32, #tpu.memory_space<vmem>>, vector<16xi32>,
      %get3A_75 = vector.shape_cast %get3A_74 : vector<16xi32> to vector<16xi32>
      %mul3A_76 = arith.constant 2 : i32
      %mul3A_77 = vector.broadcast %mul3A_76 : i32 to vector<16xi32>
      %mul3A_78 = arith.muli %get3A_75, %mul3A_77 : vector<16xi32>
      %add3A_79 = vector.broadcast %arg0 : i32 to vector<16xi32>
      %add3A_80 = arith.addi %mul3A_78, %add3A_79 : vector<16xi32>
      %swap3A_81 = arith.constant 80 : index
      %swap3A_82 = tpu.vector_load %arg7[%swap3A_81] {strides = array<i32>} : memref<128xi32, #tpu.memory_space<vmem>>, vector<16xi32>,
      %swap3A_83 = vector.shape_cast %swap3A_82 : vector<16xi32> to vector<16xi32>
      %swap3A_84 = vector.shape_cast %add3A_80 : vector<16xi32> to vector<16xi32>
      tpu.vector_store %arg7[%swap3A_81], %swap3A_84 {strides = array<i32>} : memref<128xi32, #tpu.memory_space<vmem>>, vector<16xi32>,
      %get3A_85 = arith.constant 96 : index
      %get3A_86 = tpu.vector_load %arg7[%get3A_85] {strides = array<i32>} : memref<128xi32, #tpu.memory_space<vmem>>, vector<16xi32>,
      %get3A_87 = vector.shape_cast %get3A_86 : vector<16xi32> to vector<16xi32>
      %mul3A_88 = arith.constant 2 : i32
      %mul3A_89 = vector.broadcast %mul3A_88 : i32 to vector<16xi32>
      %mul3A_90 = arith.muli %get3A_87, %mul3A_89 : vector<16xi32>
      %add3A_91 = vector.broadcast %arg0 : i32 to vector<16xi32>
      %add3A_92 = arith.addi %mul3A_90, %add3A_91 : vector<16xi32>
      %swap3A_93 = arith.constant 96 : index
      %swap3A_94 = tpu.vector_load %arg7[%swap3A_93] {strides = array<i32>} : memref<128xi32, #tpu.memory_space<vmem>>, vector<16xi32>,
      %swap3A_95 = vector.shape_cast %swap3A_94 : vector<16xi32> to vector<16xi32>
      %swap3A_96 = vector.shape_cast %add3A_92 : vector<16xi32> to vector<16xi32>
      tpu.vector_store %arg7[%swap3A_93], %swap3A_96 {strides = array<i32>} : memref<128xi32, #tpu.memory_space<vmem>>, vector<16xi32>,
      %get3A_97 = arith.constant 112 : index
      %get3A_98 = tpu.vector_load %arg7[%get3A_97] {strides = array<i32>} : memref<128xi32, #tpu.memory_space<vmem>>, vector<16xi32>,
      %get3A_99 = vector.shape_cast %get3A_98 : vector<16xi32> to vector<16xi32>
      %mul3A_100 = arith.constant 2 : i32
      %mul3A_101 = vector.broadcast %mul3A_100 : i32 to vector<16xi32>
      %mul3A_102 = arith.muli %get3A_99, %mul3A_101 : vector<16xi32>
      %add3A_103 = vector.broadcast %arg0 : i32 to vector<16xi32>
      %add3A_104 = arith.addi %mul3A_102, %add3A_103 : vector<16xi32>
      %swap3A_105 = arith.constant 112 : index
      %swap3A_106 = tpu.vector_load %arg7[%swap3A_105] {strides = array<i32>} : memref<128xi32, #tpu.memory_space<vmem>>, vector<16xi32>,
      %swap3A_107 = vector.shape_cast %swap3A_106 : vector<16xi32> to vector<16xi32>
      %swap3A_108 = vector.shape_cast %add3A_104 : vector<16xi32> to vector<16xi32>
      tpu.vector_store %arg7[%swap3A_105], %swap3A_108 {strides = array<i32>} : memref<128xi32, #tpu.memory_space<vmem>>, vector<16xi32>,
      "tpu.region"() ({
        %run_scoped3A = tpu.sem_alloc : memref<!tpu.dma_semaphore, #tpu.memory_space<semaphore_mem>>
        %dma_start3A_113 = tpu.memref_slice %arg4[%add3A_14] : memref<161792xi32, #tpu.memory_space<hbm>> -> memref<128xi32, #tpu.memory_space<hbm>>
        %dma_start3A_114 = tpu.memref_slice %arg4[%add3A_14] : memref<161792xi32, #tpu.memory_space<hbm>> -> memref<128xi32, #tpu.memory_space<hbm>>
        tpu.enqueue_dma source(%dma_start3A_114 : memref<128xi32, #tpu.memory_space<hbm>>) target(%arg8 : memref<128xi32, #tpu.memory_space<vmem>>) target_semaphore(%run_scoped3A : memref<!tpu.dma_semaphore, #tpu.memory_space<semaphore_mem>>)
        %dma_wait3A_115 = tpu.memref_slice %arg4[%add3A_14] : memref<161792xi32, #tpu.memory_space<hbm>> -> memref<128xi32, #tpu.memory_space<hbm>>
        %dma_wait3A_116 = tpu.memref_slice %arg4[%add3A_14] : memref<161792xi32, #tpu.memory_space<hbm>> -> memref<128xi32, #tpu.memory_space<hbm>>
        tpu.wait_dma2 semaphore(%run_scoped3A : memref<!tpu.dma_semaphore, #tpu.memory_space<semaphore_mem>>) src(%dma_wait3A_116 : memref<128xi32, #tpu.memory_space<hbm>>) dst(%arg8 : memref<128xi32, #tpu.memory_space<vmem>>)
        tpu.yield
      }) : () -> ()
      %dma_start3A = arith.constant 0 : i32
      %dma_start3A_109 = arith.constant 0 : i32
      %dma_start3A_110 = tpu.memref_slice %arg2[%dma_start3A, %dma_start3A_109] : memref<20000x128xf32, #tpu.memory_space<hbm>> -> memref<20000x128xf32, #tpu.memory_space<hbm>>
      tpu.enqueue_indirect_dma source(%dma_start3A_110 : memref<20000x128xf32, #tpu.memory_space<hbm>>) target(%arg9 : memref<128x128xf32, #tpu.memory_space<vmem>>) offsets(%arg7 : memref<128xi32, #tpu.memory_space<vmem>>) semaphore(%arg11 : memref<!tpu.dma_semaphore, #tpu.memory_space<semaphore_mem>>)
      %dma_wait3A = arith.constant 0 : i32
      %dma_wait3A_111 = arith.constant 0 : i32
      %dma_wait3A_112 = tpu.memref_slice %arg2[%dma_wait3A, %dma_wait3A_111] : memref<20000x128xf32, #tpu.memory_space<hbm>> -> memref<20000x128xf32, #tpu.memory_space<hbm>>
      tpu.wait_indirect_dma semaphore(%arg11 : memref<!tpu.dma_semaphore, #tpu.memory_space<semaphore_mem>>) src(%dma_wait3A_112 : memref<20000x128xf32, #tpu.memory_space<hbm>>) dst(%arg9 : memref<128x128xf32, #tpu.memory_space<vmem>>)
      "tpu.region"() ({
        %run_scoped3A = tpu.sem_alloc : memref<!tpu.dma_semaphore, #tpu.memory_space<semaphore_mem>>
        %dma_start3A_113 = arith.constant 0 : i32
        %dma_start3A_114 = arith.constant 0 : i32
        %dma_start3A_115 = tpu.memref_slice %arg10[%dma_start3A_113, %dma_start3A_114] : memref<10112x128xf32, #tpu.memory_space<vmem_shared>> -> memref<10112x128xf32, #tpu.memory_space<vmem_shared>>
        tpu.enqueue_indirect_dma source(%arg9 : memref<128x128xf32, #tpu.memory_space<vmem>>) target(%dma_start3A_115 : memref<10112x128xf32, #tpu.memory_space<vmem_shared>>) offsets(%arg8 : memref<128xi32, #tpu.memory_space<vmem>>) semaphore(%run_scoped3A : memref<!tpu.dma_semaphore, #tpu.memory_space<semaphore_mem>>) {add = true}
        %dma_wait3A_116 = arith.constant 0 : i32
        %dma_wait3A_117 = arith.constant 0 : i32
        %dma_wait3A_118 = tpu.memref_slice %arg10[%dma_wait3A_116, %dma_wait3A_117] : memref<10112x128xf32, #tpu.memory_space<vmem_shared>> -> memref<10112x128xf32, #tpu.memory_space<vmem_shared>>
        tpu.wait_indirect_dma semaphore(%run_scoped3A : memref<!tpu.dma_semaphore, #tpu.memory_space<semaphore_mem>>) src(%arg9 : memref<128x128xf32, #tpu.memory_space<vmem>>) dst(%dma_wait3A_118 : memref<10112x128xf32, #tpu.memory_space<vmem_shared>>)
        tpu.yield
      }) : () -> ()
    }
    %scan3A_7 = arith.constant 79 : i32
    %barrier3A_8 = arith.constant 0 : index
    tpu.barrier barrier_id(%barrier3A_8)
    %mul3A_9 = arith.constant 10112 : i32
    %mul3A_10 = arith.muli %arg0, %mul3A_9 : i32
    %add3A = arith.addi %mul3A_10, %mul3A_0 : i32
    "tpu.region"() ({
      %run_scoped3A = tpu.sem_alloc : memref<!tpu.dma_semaphore, #tpu.memory_space<semaphore_mem>>
      %dma_start3A = arith.constant 0 : i32
      %dma_start3A_11 = tpu.memref_slice %arg6[%add3A, %dma_start3A] : memref<20224x128xf32, #tpu.memory_space<hbm>> -> memref<632x128xf32, #tpu.memory_space<hbm>>
      %dma_start3A_12 = arith.constant 0 : i32
      %dma_start3A_13 = tpu.memref_slice %arg10[%mul3A_0, %dma_start3A_12] : memref<10112x128xf32, #tpu.memory_space<vmem_shared>> -> memref<632x128xf32, #tpu.memory_space<vmem_shared>>
      tpu.enqueue_dma source(%dma_start3A_13 : memref<632x128xf32, #tpu.memory_space<vmem_shared>>) target(%dma_start3A_11 : memref<632x128xf32, #tpu.memory_space<hbm>>) target_semaphore(%run_scoped3A : memref<!tpu.dma_semaphore, #tpu.memory_space<semaphore_mem>>)
      %dma_wait3A = arith.constant 0 : i32
      %dma_wait3A_14 = tpu.memref_slice %arg6[%add3A, %dma_wait3A] : memref<20224x128xf32, #tpu.memory_space<hbm>> -> memref<632x128xf32, #tpu.memory_space<hbm>>
      %dma_wait3A_15 = arith.constant 0 : i32
      %dma_wait3A_16 = tpu.memref_slice %arg10[%mul3A_0, %dma_wait3A_15] : memref<10112x128xf32, #tpu.memory_space<vmem_shared>> -> memref<632x128xf32, #tpu.memory_space<vmem_shared>>
      tpu.wait_dma2 semaphore(%run_scoped3A : memref<!tpu.dma_semaphore, #tpu.memory_space<semaphore_mem>>) src(%dma_wait3A_16 : memref<632x128xf32, #tpu.memory_space<vmem_shared>>) dst(%dma_wait3A_14 : memref<632x128xf32, #tpu.memory_space<hbm>>)
      tpu.yield
    }) : () -> ()
    return
  }
}

module attributes {stable_mosaic.version = 14 : i64} {
  func.func @body(%arg0: i32, %arg1: memref<1000x2x128xf32, #tpu.memory_space<vmem>>, %arg2: memref<2x1000x128xf32, #tpu.memory_space<vmem>>, %arg3: memref<256x256xf32, #tpu.memory_space<vmem>>, %arg4: memref<1x256xf32, #tpu.memory_space<vmem>>, %arg5: memref<256x256xf32, #tpu.memory_space<vmem>>, %arg6: memref<1x256xf32, #tpu.memory_space<vmem>>, %arg7: memref<1000x2x128xf32, #tpu.memory_space<vmem>>) attributes {dimension_semantics = [#tpu.dimension_semantics<arbitrary>], iteration_bounds = array<i64: 10>, scalar_prefetch = 0 : i64, scratch_operands = 0 : i64, tpu.core_type = #tpu.core_type<tc>, window_params = [{transform_indices = @transform_0, window_bounds = array<i64: 1000, 2, 128>}, {transform_indices = @transform_1, window_bounds = array<i64: 2, 1000, 128>}, {pipeline_mode = #tpu.pipeline_mode<synchronous>, transform_indices = @transform_2, window_bounds = array<i64: 256, 256>}, {pipeline_mode = #tpu.pipeline_mode<synchronous>, transform_indices = @transform_3, window_bounds = array<i64: 1, 256>}, {pipeline_mode = #tpu.pipeline_mode<synchronous>, transform_indices = @transform_4, window_bounds = array<i64: 256, 256>}, {pipeline_mode = #tpu.pipeline_mode<synchronous>, transform_indices = @transform_5, window_bounds = array<i64: 1, 256>}, {transform_indices = @transform_6, window_bounds = array<i64: 1000, 2, 128>}]} {
    %get3A = arith.constant 0 : index
    %get3A_0 = arith.constant 0 : index
    %get3A_1 = arith.constant 0 : index
    %get3A_2 = vector.load %arg1[%get3A, %get3A_0, %get3A_1] : memref<1000x2x128xf32, #tpu.memory_space<vmem>>, vector<1000x1x128xf32>
    %get3A_3 = vector.shape_cast %get3A_2 : vector<1000x1x128xf32> to vector<1000x128xf32>
    %get3A_4 = arith.constant 0 : index
    %get3A_5 = arith.constant 0 : index
    %get3A_6 = arith.constant 0 : index
    %get3A_7 = vector.load %arg2[%get3A_4, %get3A_5, %get3A_6] : memref<2x1000x128xf32, #tpu.memory_space<vmem>>, vector<1x1000x128xf32>
    %get3A_8 = vector.shape_cast %get3A_7 : vector<1x1000x128xf32> to vector<1000x128xf32>
    %add3A = arith.addf %get3A_3, %get3A_8 : vector<1000x128xf32>
    %get3A_9 = arith.constant 0 : index
    %get3A_10 = arith.constant 1 : index
    %get3A_11 = arith.constant 0 : index
    %get3A_12 = vector.load %arg1[%get3A_9, %get3A_10, %get3A_11] : memref<1000x2x128xf32, #tpu.memory_space<vmem>>, vector<1000x1x128xf32>
    %get3A_13 = vector.shape_cast %get3A_12 : vector<1000x1x128xf32> to vector<1000x128xf32>
    %get3A_14 = arith.constant 1 : index
    %get3A_15 = arith.constant 0 : index
    %get3A_16 = arith.constant 0 : index
    %get3A_17 = vector.load %arg2[%get3A_14, %get3A_15, %get3A_16] : memref<2x1000x128xf32, #tpu.memory_space<vmem>>, vector<1x1000x128xf32>
    %get3A_18 = vector.shape_cast %get3A_17 : vector<1x1000x128xf32> to vector<1000x128xf32>
    %add3A_19 = arith.addf %get3A_13, %get3A_18 : vector<1000x128xf32>
    %concatenate3A = tpu.concatenate %add3A, %add3A_19 in 1 : vector<1000x128xf32>, vector<1000x128xf32> -> vector<1000x256xf32>
    %get3A_20 = arith.constant 0 : index
    %get3A_21 = arith.constant 0 : index
    %get3A_22 = vector.load %arg3[%get3A_20, %get3A_21] : memref<256x256xf32, #tpu.memory_space<vmem>>, vector<256x256xf32>
    %dot_general3A = arith.constant dense<0.000000e+00> : vector<1000x256xf32>
    %dot_general3A_23 = tpu.matmul %concatenate3A, %get3A_22, %dot_general3A {dimension_numbers = #tpu.dot_dimension_numbers<[1], [0], [0], [1], [0, 0, 1, 1], [], []>, transpose_lhs_hint = false} : vector<1000x256xf32>, vector<256x256xf32>, vector<1000x256xf32> -> vector<1000x256xf32>
    %get3A_24 = arith.constant 0 : index
    %get3A_25 = arith.constant 0 : index
    %get3A_26 = vector.load %arg4[%get3A_24, %get3A_25] : memref<1x256xf32, #tpu.memory_space<vmem>>, vector<1x256xf32>
    %add3A_27 = vector.broadcast %get3A_26 : vector<1x256xf32> to vector<1000x256xf32>
    %add3A_28 = arith.addf %dot_general3A_23, %add3A_27 : vector<1000x256xf32>
    %max3A = arith.constant 0.000000e+00 : f32
    %max3A_29 = vector.broadcast %max3A : f32 to vector<1000x256xf32>
    %max3A_30 = arith.maximumf %add3A_28, %max3A_29 : vector<1000x256xf32>
    %get3A_31 = arith.constant 0 : index
    %get3A_32 = arith.constant 0 : index
    %get3A_33 = vector.load %arg5[%get3A_31, %get3A_32] : memref<256x256xf32, #tpu.memory_space<vmem>>, vector<256x256xf32>
    %dot_general3A_34 = arith.constant dense<0.000000e+00> : vector<1000x256xf32>
    %dot_general3A_35 = tpu.matmul %max3A_30, %get3A_33, %dot_general3A_34 {dimension_numbers = #tpu.dot_dimension_numbers<[1], [0], [0], [1], [0, 0, 1, 1], [], []>, transpose_lhs_hint = false} : vector<1000x256xf32>, vector<256x256xf32>, vector<1000x256xf32> -> vector<1000x256xf32>
    %get3A_36 = arith.constant 0 : index
    %get3A_37 = arith.constant 0 : index
    %get3A_38 = vector.load %arg6[%get3A_36, %get3A_37] : memref<1x256xf32, #tpu.memory_space<vmem>>, vector<1x256xf32>
    %add3A_39 = vector.broadcast %get3A_38 : vector<1x256xf32> to vector<1000x256xf32>
    %add3A_40 = arith.addf %dot_general3A_35, %add3A_39 : vector<1000x256xf32>
    %max3A_41 = arith.constant 0.000000e+00 : f32
    %max3A_42 = vector.broadcast %max3A_41 : f32 to vector<1000x256xf32>
    %max3A_43 = arith.maximumf %add3A_40, %max3A_42 : vector<1000x256xf32>
    %slice3A = vector.extract_strided_slice %max3A_43 {offsets = [0, 0], sizes = [1000, 128], strides = [1, 1]} : vector<1000x256xf32> to vector<1000x128xf32>
    %swap3A = arith.constant 0 : index
    %swap3A_44 = arith.constant 0 : index
    %swap3A_45 = arith.constant 0 : index
    %swap3A_46 = vector.load %arg7[%swap3A, %swap3A_44, %swap3A_45] : memref<1000x2x128xf32, #tpu.memory_space<vmem>>, vector<1000x1x128xf32>
    %swap3A_47 = vector.shape_cast %swap3A_46 : vector<1000x1x128xf32> to vector<1000x128xf32>
    %swap3A_48 = vector.shape_cast %slice3A : vector<1000x128xf32> to vector<1000x1x128xf32>
    tpu.vector_store %arg7[%swap3A, %swap3A_44, %swap3A_45], %swap3A_48 {strides = array<i32>} : memref<1000x2x128xf32, #tpu.memory_space<vmem>>, vector<1000x1x128xf32>,
    %slice3A_49 = vector.extract_strided_slice %max3A_43 {offsets = [0, 128], sizes = [1000, 128], strides = [1, 1]} : vector<1000x256xf32> to vector<1000x128xf32>
    %swap3A_50 = arith.constant 0 : index
    %swap3A_51 = arith.constant 1 : index
    %swap3A_52 = arith.constant 0 : index
    %swap3A_53 = vector.load %arg7[%swap3A_50, %swap3A_51, %swap3A_52] : memref<1000x2x128xf32, #tpu.memory_space<vmem>>, vector<1000x1x128xf32>
    %swap3A_54 = vector.shape_cast %swap3A_53 : vector<1000x1x128xf32> to vector<1000x128xf32>
    %swap3A_55 = vector.shape_cast %slice3A_49 : vector<1000x128xf32> to vector<1000x1x128xf32>
    tpu.vector_store %arg7[%swap3A_50, %swap3A_51, %swap3A_52], %swap3A_55 {strides = array<i32>} : memref<1000x2x128xf32, #tpu.memory_space<vmem>>, vector<1000x1x128xf32>,
    return
  }
  func.func @transform_0(%arg0: i32) -> (i32, i32, i32) {
    %c0_i32 = arith.constant 0 : i32
    %c0_i32_0 = arith.constant 0 : i32
    %c0_i32_1 = arith.constant 0 : i32
    return %arg0, %c0_i32, %c0_i32_0 : i32, i32, i32
  }
  func.func @transform_1(%arg0: i32) -> (i32, i32, i32) {
    %c0_i32 = arith.constant 0 : i32
    %c0_i32_0 = arith.constant 0 : i32
    %c0_i32_1 = arith.constant 0 : i32
    return %c0_i32, %arg0, %c0_i32_0 : i32, i32, i32
  }
  func.func @transform_2(%arg0: i32) -> (i32, i32) {
    %c0_i32 = arith.constant 0 : i32
    %c0_i32_0 = arith.constant 0 : i32
    %c0_i32_1 = arith.constant 0 : i32
    return %c0_i32, %c0_i32_0 : i32, i32
  }
  func.func @transform_3(%arg0: i32) -> (i32, i32) {
    %c0_i32 = arith.constant 0 : i32
    %c0_i32_0 = arith.constant 0 : i32
    %c0_i32_1 = arith.constant 0 : i32
    return %c0_i32, %c0_i32_0 : i32, i32
  }
  func.func @transform_4(%arg0: i32) -> (i32, i32) {
    %c0_i32 = arith.constant 0 : i32
    %c0_i32_0 = arith.constant 0 : i32
    %c0_i32_1 = arith.constant 0 : i32
    return %c0_i32, %c0_i32_0 : i32, i32
  }
  func.func @transform_5(%arg0: i32) -> (i32, i32) {
    %c0_i32 = arith.constant 0 : i32
    %c0_i32_0 = arith.constant 0 : i32
    %c0_i32_1 = arith.constant 0 : i32
    return %c0_i32, %c0_i32_0 : i32, i32
  }
  func.func @transform_6(%arg0: i32) -> (i32, i32, i32) {
    %c0_i32 = arith.constant 0 : i32
    %c0_i32_0 = arith.constant 0 : i32
    %c0_i32_1 = arith.constant 0 : i32
    return %arg0, %c0_i32, %c0_i32_0 : i32, i32, i32
  }
}

module attributes {stable_mosaic.version = 14 : i64} {
  func.func @body(%arg0: i32, %arg1: memref<1000x2x128xf32, #tpu.memory_space<vmem>>, %arg2: memref<2x1000x128xf32, #tpu.memory_space<vmem>>, %arg3: memref<256x256xf32, #tpu.memory_space<vmem>>, %arg4: memref<1x256xf32, #tpu.memory_space<vmem>>, %arg5: memref<256x64xf32, #tpu.memory_space<vmem>>, %arg6: memref<1x64xf32, #tpu.memory_space<vmem>>, %arg7: memref<1000x64xf32, #tpu.memory_space<vmem>>) attributes {dimension_semantics = [#tpu.dimension_semantics<arbitrary>], iteration_bounds = array<i64: 10>, scalar_prefetch = 0 : i64, scratch_operands = 0 : i64, tpu.core_type = #tpu.core_type<tc>, window_params = [{transform_indices = @transform_0, window_bounds = array<i64: 1000, 2, 128>}, {transform_indices = @transform_1, window_bounds = array<i64: 2, 1000, 128>}, {pipeline_mode = #tpu.pipeline_mode<synchronous>, transform_indices = @transform_2, window_bounds = array<i64: 256, 256>}, {pipeline_mode = #tpu.pipeline_mode<synchronous>, transform_indices = @transform_3, window_bounds = array<i64: 1, 256>}, {pipeline_mode = #tpu.pipeline_mode<synchronous>, transform_indices = @transform_4, window_bounds = array<i64: 256, 64>}, {pipeline_mode = #tpu.pipeline_mode<synchronous>, transform_indices = @transform_5, window_bounds = array<i64: 1, 64>}, {transform_indices = @transform_6, window_bounds = array<i64: 1000, 64>}]} {
    %get3A = arith.constant 0 : index
    %get3A_0 = arith.constant 0 : index
    %get3A_1 = arith.constant 0 : index
    %get3A_2 = vector.load %arg1[%get3A, %get3A_0, %get3A_1] : memref<1000x2x128xf32, #tpu.memory_space<vmem>>, vector<1000x1x128xf32>
    %get3A_3 = vector.shape_cast %get3A_2 : vector<1000x1x128xf32> to vector<1000x128xf32>
    %get3A_4 = arith.constant 0 : index
    %get3A_5 = arith.constant 0 : index
    %get3A_6 = arith.constant 0 : index
    %get3A_7 = vector.load %arg2[%get3A_4, %get3A_5, %get3A_6] : memref<2x1000x128xf32, #tpu.memory_space<vmem>>, vector<1x1000x128xf32>
    %get3A_8 = vector.shape_cast %get3A_7 : vector<1x1000x128xf32> to vector<1000x128xf32>
    %add3A = arith.addf %get3A_3, %get3A_8 : vector<1000x128xf32>
    %get3A_9 = arith.constant 0 : index
    %get3A_10 = arith.constant 1 : index
    %get3A_11 = arith.constant 0 : index
    %get3A_12 = vector.load %arg1[%get3A_9, %get3A_10, %get3A_11] : memref<1000x2x128xf32, #tpu.memory_space<vmem>>, vector<1000x1x128xf32>
    %get3A_13 = vector.shape_cast %get3A_12 : vector<1000x1x128xf32> to vector<1000x128xf32>
    %get3A_14 = arith.constant 1 : index
    %get3A_15 = arith.constant 0 : index
    %get3A_16 = arith.constant 0 : index
    %get3A_17 = vector.load %arg2[%get3A_14, %get3A_15, %get3A_16] : memref<2x1000x128xf32, #tpu.memory_space<vmem>>, vector<1x1000x128xf32>
    %get3A_18 = vector.shape_cast %get3A_17 : vector<1x1000x128xf32> to vector<1000x128xf32>
    %add3A_19 = arith.addf %get3A_13, %get3A_18 : vector<1000x128xf32>
    %concatenate3A = tpu.concatenate %add3A, %add3A_19 in 1 : vector<1000x128xf32>, vector<1000x128xf32> -> vector<1000x256xf32>
    %get3A_20 = arith.constant 0 : index
    %get3A_21 = arith.constant 0 : index
    %get3A_22 = vector.load %arg3[%get3A_20, %get3A_21] : memref<256x256xf32, #tpu.memory_space<vmem>>, vector<256x256xf32>
    %dot_general3A = arith.constant dense<0.000000e+00> : vector<1000x256xf32>
    %dot_general3A_23 = tpu.matmul %concatenate3A, %get3A_22, %dot_general3A {dimension_numbers = #tpu.dot_dimension_numbers<[1], [0], [0], [1], [0, 0, 1, 1], [], []>, transpose_lhs_hint = false} : vector<1000x256xf32>, vector<256x256xf32>, vector<1000x256xf32> -> vector<1000x256xf32>
    %get3A_24 = arith.constant 0 : index
    %get3A_25 = arith.constant 0 : index
    %get3A_26 = vector.load %arg4[%get3A_24, %get3A_25] : memref<1x256xf32, #tpu.memory_space<vmem>>, vector<1x256xf32>
    %add3A_27 = vector.broadcast %get3A_26 : vector<1x256xf32> to vector<1000x256xf32>
    %add3A_28 = arith.addf %dot_general3A_23, %add3A_27 : vector<1000x256xf32>
    %max3A = arith.constant 0.000000e+00 : f32
    %max3A_29 = vector.broadcast %max3A : f32 to vector<1000x256xf32>
    %max3A_30 = arith.maximumf %add3A_28, %max3A_29 : vector<1000x256xf32>
    %get3A_31 = arith.constant 0 : index
    %get3A_32 = arith.constant 0 : index
    %get3A_33 = vector.load %arg5[%get3A_31, %get3A_32] : memref<256x64xf32, #tpu.memory_space<vmem>>, vector<256x64xf32>
    %dot_general3A_34 = arith.constant dense<0.000000e+00> : vector<1000x64xf32>
    %dot_general3A_35 = tpu.matmul %max3A_30, %get3A_33, %dot_general3A_34 {dimension_numbers = #tpu.dot_dimension_numbers<[1], [0], [0], [1], [0, 0, 1, 1], [], []>, transpose_lhs_hint = false} : vector<1000x256xf32>, vector<256x64xf32>, vector<1000x64xf32> -> vector<1000x64xf32>
    %get3A_36 = arith.constant 0 : index
    %get3A_37 = arith.constant 0 : index
    %get3A_38 = vector.load %arg6[%get3A_36, %get3A_37] : memref<1x64xf32, #tpu.memory_space<vmem>>, vector<1x64xf32>
    %add3A_39 = vector.broadcast %get3A_38 : vector<1x64xf32> to vector<1000x64xf32>
    %add3A_40 = arith.addf %dot_general3A_35, %add3A_39 : vector<1000x64xf32>
    %swap3A = arith.constant 0 : index
    %swap3A_41 = arith.constant 0 : index
    %swap3A_42 = vector.load %arg7[%swap3A, %swap3A_41] : memref<1000x64xf32, #tpu.memory_space<vmem>>, vector<1000x64xf32>
    tpu.vector_store %arg7[%swap3A, %swap3A_41], %add3A_40 {strides = array<i32>} : memref<1000x64xf32, #tpu.memory_space<vmem>>, vector<1000x64xf32>,
    return
  }
  func.func @transform_0(%arg0: i32) -> (i32, i32, i32) {
    %c0_i32 = arith.constant 0 : i32
    %c0_i32_0 = arith.constant 0 : i32
    %c0_i32_1 = arith.constant 0 : i32
    return %arg0, %c0_i32, %c0_i32_0 : i32, i32, i32
  }
  func.func @transform_1(%arg0: i32) -> (i32, i32, i32) {
    %c0_i32 = arith.constant 0 : i32
    %c0_i32_0 = arith.constant 0 : i32
    %c0_i32_1 = arith.constant 0 : i32
    return %c0_i32, %arg0, %c0_i32_0 : i32, i32, i32
  }
  func.func @transform_2(%arg0: i32) -> (i32, i32) {
    %c0_i32 = arith.constant 0 : i32
    %c0_i32_0 = arith.constant 0 : i32
    %c0_i32_1 = arith.constant 0 : i32
    return %c0_i32, %c0_i32_0 : i32, i32
  }
  func.func @transform_3(%arg0: i32) -> (i32, i32) {
    %c0_i32 = arith.constant 0 : i32
    %c0_i32_0 = arith.constant 0 : i32
    %c0_i32_1 = arith.constant 0 : i32
    return %c0_i32, %c0_i32_0 : i32, i32
  }
  func.func @transform_4(%arg0: i32) -> (i32, i32) {
    %c0_i32 = arith.constant 0 : i32
    %c0_i32_0 = arith.constant 0 : i32
    %c0_i32_1 = arith.constant 0 : i32
    return %c0_i32, %c0_i32_0 : i32, i32
  }
  func.func @transform_5(%arg0: i32) -> (i32, i32) {
    %c0_i32 = arith.constant 0 : i32
    %c0_i32_0 = arith.constant 0 : i32
    %c0_i32_1 = arith.constant 0 : i32
    return %c0_i32, %c0_i32_0 : i32, i32
  }
  func.func @transform_6(%arg0: i32) -> (i32, i32) {
    %c0_i32 = arith.constant 0 : i32
    %c0_i32_0 = arith.constant 0 : i32
    return %arg0, %c0_i32 : i32, i32
  }
}

</mosaic_0001>

<sc_bundles>
// kernel: kernel.6.cloned.1.call-start
scs
__scs_entry_jumppad:
0x0: {  	(pc) =	sbr.rel $0x88, $3  }
0x1: {  	(tag) =	ssettag $0x0;
	lr =	simm.s32 $0x1  }
0x2: {  	[smem:$0x3F97] =	sst lr;
	_ =	strace $0xD0000000  }
0x3: {  	_ = 	snop  }
0x4: {  	_ = 	snop  }
0x5: {  	_ = 	snop  }
0x6: {  	_ = 	snop  }
0x7: {  	_ = 	snop  }
__scs_overlays_trampoline_lowered:
0x8: {  	[smem:$0x3FA6] =	sst s0  }
0x9: {  	[smem:$0x3FA7] =	sst s1  }
0xa: {  	[smem:$0x3FA8] =	sst s2  }
0xb: {  	[smem:$0x3FA9] =	sst s3  }
0xc: {  	[smem:$0x3FAA] =	sst s4  }
0xd: {  	[smem:$0x3FAB] =	sst s5  }
0xe: {  	[smem:$0x3FAC] =	sst s6  }
0xf: {  	[smem:$0x3FAD] =	sst s7  }
0x10: {  	[smem:$0x3FAE] =	sst s8  }
0x11: {  	[smem:$0x3FAF] =	sst s9;
	s0 =	simm.s32 @!p0 $0x0  }
0x12: {  	s1 =	sld [smem:$0x3F95];
	s0 =	simm.s32 @p0 $0x1  }
0x13: {  	[smem:$0x3FB0] =	sst s0;
	s0 =	simm.s32 @!p1 $0x0  }
0x14: {  	s2 =	sld [smem:$0x3F94];
	s0 =	simm.s32 @p1 $0x1  }
0x15: {  	[smem:$0x3FB1] =	sst s0;
	s0 =	simm.s32 @!p2 $0x0  }
0x16: {  	s3 =	sld [smem:$0x3FDB];
	s0 =	simm.s32 @p2 $0x1  }
0x17: {  	s4 =	simm.s32 $0x1BF5;
	[smem:$0x3FB3] =	sst s0  }
0x18: {  	s0 =	sld [smem:$0x3F96];
	_ =	swait.ge [sflag:s4], $0x0  }
0x19: {  	s7 =	sld [smem:$0x3F97]  }
0x1a: {  	s8 =	sadd.s32 $0xFFFFE003, lr  }
0x1b: {  	s9 =	sadd.s32 $0xFFFFFEF7, lr;
	s5 =	simm.s32 $0xFFFFFFFF;
	p2 =	slt.u32 s8, $0xFFFFF086  }
0x1c: {  	p1 =	slt.u32 s9, $0xF7A;
	s5 =	simm.s32 @!p2 $0x0  }
0x1d: {  	s5 =	simm.s32 @p1 $0x1;
	p0 =	seq.s32 s7, s2  }
0x1e: {  	s7 =	smul.u32 @!p0 $0xF7A, s2;
	p2 =	seq.s32 @!p0 s5, $0x0  }
0x1f: {  	s9 =	smul.u32 $0xF7A, s1;
	s8 =	simm.s32 @!p0 $0x1BF5;
	p2 =	por !p2, p0  }
0x20: {  	[sflag:s8] =	ssyncset.s32 @!p0 $0xFFFFF086;
	s6 =	sadd.s32 @!p0 s3, s7;
	s7 =	simm.s32 @!p0 $0x108  }
0x21: {  	s3 =	sadd.s32 s3, s9;
	s6 =	sadd.s32 @!p0 $0x88, s6;
	s7 =	simm.s32 @p2 $0x1082  }
0x22: {  	[simem:s7], [sflag:s8] =	dma.local @!p0 [hbm:s6], $0xF7A  }
0x23: {  	s9 =	sor.u32 $0xD0000000, s2;
	s6 =	simm.s32 $0x108;
	_ =	swait.ge @!p0 [sflag:s8], $0x0  }
0x24: {  	s3 =	sadd.s32 $0x88, s3;
	s6 =	simm.s32 @!p1 $0x1082;
	[sflag:s4] =	ssyncset.s32 $0xFFFFF086  }
0x25: {  	[simem:s6], [sflag:s4] =	dma.local [hbm:s3], $0xF7A  }
0x26: {  	[smem:$0x3F97] =	sst s1;
	(tag) =	ssettag s2;
	_ =	strace s9  }
0x27: {  	s1 =	sld [smem:$0x3FA7]  }
0x28: {  	s2 =	sld [smem:$0x3FA8]  }
0x29: {  	s4 =	sld [smem:$0x3FAA]  }
0x2a: {  	p0 =	seq.s32 s5, $0x0;
	s5 =	sld [smem:$0x3FAB]  }
0x2b: {  	s6 =	sld [smem:$0x3FAC]  }
0x2c: {  	s7 =	sld [smem:$0x3FAD]  }
0x2d: {  	s3 =	simm.s32 $0x108;
	s8 =	sld [smem:$0x3FAE]  }
0x2e: {  	s3 =	simm.s32 @!p0 $0x1082;
	s9 =	sld [smem:$0x3FAF]  }
0x2f: {  	lr =	sadd.s32 s0, s3;
	s0 =	sld [smem:$0x3FA6]  }
0x30: {  	s3 =	sld [smem:$0x3FA9]  }
0x31: {  	[smem:$0x3FB2] =	sst s10  }
0x32: {  	s10 =	sld [smem:$0x3FB0];
	_ =	sdelay $0x3  }
0x33: {  	p0 =	seq.s32 s10, $0x1;
	s10 =	sld [smem:$0x3FB2];
	_ =	sdelay $0x3  }
0x34: {  	[smem:$0x3FB2] =	sst s10  }
0x35: {  	s10 =	sld [smem:$0x3FB1];
	_ =	sdelay $0x3  }
0x36: {  	p1 =	seq.s32 s10, $0x1;
	s10 =	sld [smem:$0x3FB2];
	_ =	sdelay $0x3  }
0x37: {  	[smem:$0x3FB2] =	sst s10  }
0x38: {  	s10 =	sld [smem:$0x3FB3]  }
0x39: {  	_ = 	snop;
	(pc) =	sbr.ind lr, $3  }
0x3a: {  	_ = 	snop  }
0x3b: {  	_ = 	snop  }
0x3c: {  	p2 =	seq.s32 s10, $0x1;
	s10 =	sld [smem:$0x3FB2]  }
0x3d: {  	_ =	shalt  }
0x3e: {  	_ =	shalt  }
0x3f: {  	_ =	shalt  }
0x40: {  	_ =	shalt  }
0x41: {  	_ =	shalt  }
0x42: {  	_ =	shalt  }
0x43: {  	_ =	shalt  }
0x44: {  	_ =	shalt  }
0x45: {  	_ =	shalt  }
0x46: {  	_ =	shalt  }
0x47: {  	_ =	shalt  }
0x48: {  	_ =	shalt  }
0x49: {  	_ =	shalt  }
0x4a: {  	_ =	shalt  }
0x4b: {  	_ =	shalt  }
0x4c: {  	_ =	shalt  }
0x4d: {  	_ =	shalt  }
0x4e: {  	_ =	shalt  }
0x4f: {  	_ =	shalt  }
0x50: {  	_ =	shalt  }
0x51: {  	_ =	shalt  }
0x52: {  	_ =	shalt  }
0x53: {  	_ =	shalt  }
0x54: {  	_ =	shalt  }
0x55: {  	_ =	shalt  }
0x56: {  	_ =	shalt  }
0x57: {  	_ =	shalt  }
0x58: {  	_ =	shalt  }
0x59: {  	_ =	shalt  }
0x5a: {  	_ =	shalt  }
0x5b: {  	_ =	shalt  }
0x5c: {  	_ =	shalt  }
0x5d: {  	_ =	shalt  }
0x5e: {  	_ =	shalt  }
0x5f: {  	_ =	shalt  }
0x60: {  	_ =	shalt  }
0x61: {  	_ =	shalt  }
0x62: {  	_ =	shalt  }
0x63: {  	_ =	shalt  }
0x64: {  	_ =	shalt  }
0x65: {  	_ =	shalt  }
0x66: {  	_ =	shalt  }
0x67: {  	_ =	shalt  }
0x68: {  	_ =	shalt  }
0x69: {  	_ =	shalt  }
0x6a: {  	_ =	shalt  }
0x6b: {  	_ =	shalt  }
0x6c: {  	_ =	shalt  }
0x6d: {  	_ =	shalt  }
0x6e: {  	_ =	shalt  }
0x6f: {  	_ =	shalt  }
0x70: {  	_ =	shalt  }
0x71: {  	_ =	shalt  }
0x72: {  	_ =	shalt  }
0x73: {  	_ =	shalt  }
0x74: {  	_ =	shalt  }
0x75: {  	_ =	shalt  }
0x76: {  	_ =	shalt  }
0x77: {  	_ =	shalt  }
0x78: {  	_ =	shalt  }
0x79: {  	_ =	shalt  }
0x7a: {  	_ =	shalt  }
0x7b: {  	_ =	shalt  }
0x7c: {  	_ =	shalt  }
0x7d: {  	_ =	shalt  }
0x7e: {  	_ =	shalt  }
0x7f: {  	_ =	shalt  }
0x80: {  	_ =	shalt  }
0x81: {  	_ =	shalt  }
0x82: {  	_ =	shalt  }
0x83: {  	_ =	shalt  }
0x84: {  	_ =	shalt  }
0x85: {  	_ =	shalt  }
0x86: {  	_ =	shalt  }
0x87: {  	_ =	shalt  }
.Lfunc_end0:
.L_simem_size_0:
called_computation_lowered:
.L_overlay_start_0:
0x88: {  	s2 =	sld [smem:$0x3FD9]  }
0x89: {  	s3 =	sld [smem:$0x3FFE];
	_ =	sdelay $0x1  }
0x8a: {  	s1 =	srdreg.scid  }
0x8b: {  	s0 =	sand.u32 $0x1, s1  }
0x8c: {  	s17 =	sshll.u32 s0, $0xA;
	s2 =	sadd.s32 s3, s2  }
0x8d: {  	s2 =	sadd.s32 s2, s17  }
0x8e: {  	[smem:$0x3FBE] =	sst s2  }
0x8f: {  	_ = 	snop  }
0x90: {  	s2 =	sld [smem:$0x3FD0];
	(tm) =	ssettm $0x1  }
0x91: {  	s18 =	sld [smem:$0x3FFB];
	_ =	sdelay $0x3  }
0x92: {  	_ =	strace s18  }
0x93: {  	s3 =	sld [smem:$0x3FFC];
	_ =	sdelay $0x3  }
0x94: {  	_ =	strace s3  }
0x95: {  	s3 =	sld [smem:$0x3FFD];
	_ =	sdelay $0x3  }
0x96: {  	_ =	strace s3  }
0x97: {  	_ =	strace $0x8FFFFFFF  }
0x98: {  	s19 =	sld [smem:$0x3FDB];
	_ =	sdelay $0x1  }
0x99: {  	s4 =	simm.s32 $_scs_section_size  }
0x9a: {  	s5 =	simm.s32 $_size__tile_overlayer_lowered;
	s6 =	simm.s32 $_tile_overlayer_lowered  }
0x9b: {  	s22 =	simm.s32 $0x1BFF;
	s21 =	sshll.u32 s6, $0x1;
	s3 =	sadd.s32 s4, s19  }
0x9c: {  	s7 =	simm.s32 $0x0;
	s20 =	sshll.u32 s5, $0x1;
	s5 =	sadd.s32 s21, s3  }
0x9d: {  	[timem:s7], [sflag:s22] =	dma.local [hbm:s5], s20  }
0x9e: {  	_ =	swait.ge [sflag:s22], s20  }
0x9f: {  	s4 =	ssub.s32 $0x0, s20;
	[sflag:s22] =	ssyncset.done $0x0  }
0xa0: {  	[sflag:s22] =	ssyncadd.s32 s4;
	_ =	sdelay $0x1  }
0xa1: {  	s23 =	simm.s32 $0x1B8B  }
0xa2: {  	_ =	swait.ge [sflag:s23], $0x1  }
0xa3: {  	[sflag:s23] =	ssyncset.done $0x0  }
0xa4: {  	s25 =	simm.s32 $0x1B8E;
	s24 =	sld [smem:$0x3FFE];
	[sflag:s23] =	ssyncadd.s32 $0xFFFFFFFF  }
0xa5: {  	s26 =	simm.s32 $execute0_lowered;
	[smem:$0x3FD2] =	sst s25  }
0xa6: {  	s5 =	sshll.u32 s26, $0x1;
	_ =	strace $0x80000046;
	[dreg:$0x1] =	wrdreg $0xFFFFFFFF  }
0xa7: {  	s28 =	simm.s32 $_size_execute0_lowered;
	s3 =	sadd.s32 s3, s5;
	[dreg:$0x0] =	wrdreg $0x0  }
0xa8: {  	s5 =	sshll.u32 s28, $0x1;
	[dreg:$0x2] =	wrdreg s3  }
0xa9: {  	[dreg:$0x3] =	wrdreg s5  }
0xaa: {  	[dreg:$0x4] =	wrdreg $0xC0  }
0xab: {  	_ =	task [dreg:s7], $0x5FFFF  }
0xac: {  	[dreg:$0x1] =	wrdreg $0xFFFFFFFF  }
0xad: {  	[dreg:$0x0] =	wrdreg $0x60  }
0xae: {  	[dreg:$0x2] =	wrdreg s24  }
0xaf: {  	[dreg:$0x3] =	wrdreg s2  }
0xb0: {  	[dreg:$0x4] =	wrdreg $0x41000  }
0xb1: {  	[dreg:$0x5] =	wrdreg $0x9  }
0xb2: {  	_ =	task.clear_ibuf [dreg:s7], $0x6FFFF;
	_ =	strace $0x90000046  }
0xb3: {  	s29 =	simm.s32 $0x9;
	_ =	strace $0x80000048  }
0xb4: {  	_ =	swait.ge [sflag:s29], $0x1  }
0xb5: {  	[sflag:s29] =	ssyncadd.s32 $0xFFFFFFFF  }
0xb6: {  	_ =	strace $0x90000048  }
0xb7: {  	_ =	sfence  }
0xb8: {  	s30 =	sld [smem:$0x0];
	_ =	sdelay $0x2  }
0xb9: {  	s31 =	sshll.u32 s1, $0xD;
	s1 =	sshrl.u32 s1, $0x2  }
0xba: {  	s3 =	sand.u32 $0x4000, s31;
	s1 =	sadd.s32 s1, s30  }
0xbb: {  	s0 =	sor.u32 s3, s0;
	s1 =	sshll.u32 s1, $0x11  }
0xbc: {  	s0 =	sor.u32 s1, s0  }
0xbd: {  	s0 =	sadd.s32 $0x8F2B, s0  }
0xbe: {  	[sflag:s0] =	ssyncadd.remote.s32 $0x1  }
0xbf: {  	_ =	sfence.sel $0xFFFF  }
0xc0: {  	[dreg:$0x0] =	wrdreg $0xFFFFFFFF;
	(pc) =	sbr.abs _section_cstart, $3  }
0xc1: {  	[dreg:$0x1] =	wrdreg $0xFFFFFFFF  }
0xc2: {  	_ =	task.clear_ibuf [dreg:s7], $0x2FFFF;
	_ =	strace $0x9FFFFFFF  }
0xc3: {  	(tm) =	ssettm $0x7FFFFFFF  }
tec
execute0_lowered:
.L_overlay_start_1:
0x0: {  	(tag) =	ssettag $0x1  }
0x1: {  	s5 =	rddreg [dreg:$0x0]  }
0x2: {  	s10 =	rddreg [dreg:$0x1]  }
0x3: {  	s2 =	rddreg [dreg:$0x2]  }
0x4: {  	s0 =	rddreg [dreg:$0x3]  }
0x5: {  	s1 =	stileid.u32;
	s3 =	simm.s32 $0x0;
	s4 =	srdreg.scid  }
0x6: {  	s16 =	simm.s32 $0x0;
	s11 =	smul.u32 $0x4F0, s1;
	[smem:$0x7FF] =	sst s3  }
0x7: {  	s6 =	smul.u32 $0x2780, s1;
	s14 =	sand.u32 $0x1, s4;
	s4 =	sadd.s32 $0x2000, s5  }
0x8: {  	s8 =	smul.u32 $0x4F000, s1;
	s31 =	sshll.u32 s1, $0x6;
	_ =	strace $0x80000047  }
0x9: {  	s7 =	smul.u32 $0x27800, s14;
	s26 =	ssub.s32 $0x2, s14;
	v0 =	vmov s14;
	s14 =	simm.s32 $0x100  }
0xa: {  	s9 =	sadd.s32 s11, s5;
	s12 =	sadd.s32 s6, s5;
	s28 =	sshrl.u32 s26, $0x1  }
0xb: {  	s29 =	sshrl.u32 s8, $0x2;
	s10 =	sadd.s32 s11, s10;
	s6 =	sadd.s32 s6, s7  }
0xc: {  	s30 =	ssub.s32 s26, s28;
	s15 =	sadd.s32 s29, s2;
	s9 =	sadd.s32 $0x50200, s9  }
0xd: {  	s13 =	sadd.s32 s6, s5;
	s5 =	sadd.s32 $0x55200, s12;
	s6 =	sor.u32 $0x1C02, s31  }
0xe: {  	s8 =	smax.u32 s30, $0x1;
	s11 =	sshrl.u32 s15, $0x3;
	s12 =	simm.s32 $0x2  }
0xf: {  	s15 =	simm.s32 $0x1;
	s7 =	sadd.s32 $0x7CA00, s13;
	s13 =	simm.s32 $0x80  }
.LBB2_1:
0x10: {  	[spmem:s11], [sflag:s6] =	dma.local [hbm:s5], $0x2780  }
0x11: {  	_ =	swait.ge [sflag:s12], $0x2780  }
0x12: {  	[sflag:s12] =	ssyncset.done $0x0  }
0x13: {  	[sflag:s12] =	ssyncadd.s32 $0xFFFFD880  }
0x14: {  	s17 =	sadd.s32 $0x0, s10;
	[bflag:$0x0] =	sbarrier.arrive $0xFFFF  }
0x15: {  	[tilespmem:s3], [sflag:$0x2] =	stream.linear.gather [hbm4b:s17+s3], $0x80, $0x38;
	[tilespmem:$0x17D00] =	vst v63  }
0x16: {  	_ =	swait.ge [sflag:s12], $0x80  }
0x17: {  	[sflag:s12] =	ssyncset.done $0x0  }
0x18: {  	[sflag:s12] =	ssyncadd.s32 $0xFFFFFF80  }
0x19: {  	v1 =	vld [tilespmem:$0x70]  }
0x1a: {  	v2 =	vld [tilespmem:$0x60]  }
0x1b: {  	v3 =	vld [tilespmem:$0x50]  }
0x1c: {  	v4 =	vld [tilespmem:$0x30]  }
0x1d: {  	v5 =	vld [tilespmem:$0x20]  }
0x1e: {  	v6 =	vld [tilespmem:$0x10];
	v1 =	vshll.u32 v1, $0x1  }
0x1f: {  	v7 =	vld [tilespmem:$0x40];
	v2 =	vshll.u32 v2, $0x1;
	v1 =	vor.u32 v0, v1  }
0x20: {  	v8 =	vld [tilespmem:$0x0];
	v3 =	vshll.u32 v3, $0x1;
	v2 =	vor.u32 v0, v2;
	[tilespmem:$0x70] =	vst v1  }
0x21: {  	v3 =	vor.u32 v0, v3;
	v1 =	vshll.u32 v4, $0x1;
	[tilespmem:$0x60] =	vst v2  }
0x22: {  	v2 =	vshll.u32 v5, $0x1;
	[tilespmem:$0x50] =	vst v3;
	v1 =	vor.u32 v0, v1  }
0x23: {  	v3 =	vshll.u32 v6, $0x1;
	v2 =	vor.u32 v0, v2;
	[tilespmem:$0x30] =	vst v1  }
0x24: {  	v1 =	vor.u32 v0, v3;
	[tilespmem:$0x20] =	vst v2;
	v2 =	vshll.u32 v7, $0x1  }
0x25: {  	v3 =	vshll.u32 v8, $0x1;
	[tilespmem:$0x10] =	vst v1;
	v1 =	vor.u32 v0, v2  }
0x26: {  	v2 =	vor.u32 v0, v3;
	[tilespmem:$0x40] =	vst v1  }
0x27: {  	s31 =	sadd.s32 $0x0, s9;
	[tilespmem:$0x0] =	vst v2  }
0x28: {  	[tilespmem:s13], [sflag:$0x2] =	stream.linear.gather [hbm4b:s31+s3], $0x80, $0x38;
	[tilespmem:$0x17D00] =	vst v63  }
0x29: {  	_ =	swait.ge [sflag:s12], $0x80  }
0x2a: {  	[sflag:s12] =	ssyncset.done $0x0  }
0x2b: {  	s17 =	simm.s32 $0x10;
	[sflag:s12] =	ssyncadd.s32 $0xFFFFFF80  }
.LBB2_2:
0x2c: {  	[tilespmem:s14], [sflag:$0x1] =	stream.indirect.gather [hbm4b:s4+s13], $0x80, s3, s13, $0xb8;
	[tilespmem:$0x17D00] =	vst v63  }
0x2d: {  	s18 =	smov.u32 s17  }
0x2e: {  	p0 =	sne.s32 s17, $0x4E0;
	s17 =	sadd.s32 $0x10, s17;
	_ =	swait.ge [sflag:s15], $0x4000  }
0x2f: {  	[sflag:s15] =	ssyncset.done $0x0  }
0x30: {  	[sflag:s15] =	ssyncadd.s32 $0xFFFFC000  }
0x31: {  	[spmem:s2] =	stream.indirect.scatter.add.f32 [tilespmem:s14], [sflag:$0x2], $0x80, s13, s13, $0xb8;
	[tilespmem:$0x17D00] =	vst v63  }
0x32: {  	_ =	swait.ge [sflag:s12], $0x4000  }
0x33: {  	[sflag:s12] =	ssyncset.done $0x0  }
0x34: {  	[sflag:s12] =	ssyncadd.s32 $0xFFFFC000  }
0x35: {  	s19 =	sadd.s32 s18, s10  }
0x36: {  	[tilespmem:s3], [sflag:$0x2] =	stream.linear.gather [hbm4b:s19+s3], $0x80, $0x38;
	[tilespmem:$0x17D00] =	vst v63  }
0x37: {  	_ =	swait.ge [sflag:s12], $0x80  }
0x38: {  	[sflag:s12] =	ssyncset.done $0x0  }
0x39: {  	[sflag:s12] =	ssyncadd.s32 $0xFFFFFF80  }
0x3a: {  	v1 =	vld [tilespmem:$0x70]  }
0x3b: {  	v2 =	vld [tilespmem:$0x60]  }
0x3c: {  	v3 =	vld [tilespmem:$0x50]  }
0x3d: {  	v4 =	vld [tilespmem:$0x30]  }
0x3e: {  	v5 =	vld [tilespmem:$0x20]  }
0x3f: {  	v6 =	vld [tilespmem:$0x10];
	v1 =	vshll.u32 v1, $0x1  }
0x40: {  	v7 =	vld [tilespmem:$0x40];
	v2 =	vshll.u32 v2, $0x1;
	v1 =	vor.u32 v0, v1  }
0x41: {  	v8 =	vld [tilespmem:$0x0];
	v3 =	vshll.u32 v3, $0x1;
	v2 =	vor.u32 v0, v2;
	[tilespmem:$0x70] =	vst v1  }
0x42: {  	v1 =	vshll.u32 v4, $0x1;
	v3 =	vor.u32 v0, v3;
	[tilespmem:$0x60] =	vst v2  }
0x43: {  	v2 =	vshll.u32 v5, $0x1;
	v1 =	vor.u32 v0, v1;
	[tilespmem:$0x50] =	vst v3  }
0x44: {  	v3 =	vshll.u32 v6, $0x1;
	v2 =	vor.u32 v0, v2;
	[tilespmem:$0x30] =	vst v1  }
0x45: {  	v1 =	vor.u32 v0, v3;
	[tilespmem:$0x20] =	vst v2;
	v2 =	vshll.u32 v7, $0x1  }
0x46: {  	v3 =	vshll.u32 v8, $0x1;
	[tilespmem:$0x10] =	vst v1;
	v1 =	vor.u32 v0, v2  }
0x47: {  	v2 =	vor.u32 v0, v3;
	[tilespmem:$0x40] =	vst v1  }
.Ltmp0:
0x48: {  	s18 =	sadd.s32 s18, s9;
	[tilespmem:$0x0] =	vst v2;
	(pc) =	sbr.rel @p0 .LBB2_2-.Ltmp0, $4  }
0x49: {  	[tilespmem:s13], [sflag:$0x2] =	stream.linear.gather [hbm4b:s18+s3], $0x80, $0x38;
	[tilespmem:$0x17D00] =	vst v63  }
0x4a: {  	_ =	swait.ge [sflag:s12], $0x80  }
0x4b: {  	[sflag:s12] =	ssyncset.done $0x0  }
0x4c: {  	[sflag:s12] =	ssyncadd.s32 $0xFFFFFF80  }
0x4d: {  	[tilespmem:s14], [sflag:$0x1] =	stream.indirect.gather [hbm4b:s4+s13], $0x80, s3, s13, $0xb8;
	[tilespmem:$0x17D00] =	vst v63  }
0x4e: {  	_ =	swait.ge [sflag:s15], $0x4000  }
0x4f: {  	[sflag:s15] =	ssyncset.done $0x0  }
0x50: {  	[sflag:s15] =	ssyncadd.s32 $0xFFFFC000  }
0x51: {  	[spmem:s2] =	stream.indirect.scatter.add.f32 [tilespmem:s14], [sflag:$0x2], $0x80, s13, s13, $0xb8;
	[tilespmem:$0x17D00] =	vst v63  }
0x52: {  	_ =	swait.ge [sflag:s12], $0x4000  }
0x53: {  	s16 =	sadd.s32 $0x1, s16;
	[sflag:s12] =	ssyncset.done $0x0  }
0x54: {  	p0 =	sne.s32 s16, s8;
	[sflag:s12] =	ssyncadd.s32 $0xFFFFC000  }
.Ltmp1:
0x55: {  	[bflag:$0x0] =	sbarrier.arrive $0xFFFF;
	(pc) =	sbr.rel @p0 .LBB2_1-.Ltmp1, $4  }
0x56: {  	[hbm:s7], [sflag:s6] =	dma.local [spmem:s11], $0x2780  }
0x57: {  	_ =	swait.ge [sflag:s12], $0x2780  }
0x58: {  	[sflag:s12] =	ssyncset.done $0x0  }
0x59: {  	[sflag:s12] =	ssyncadd.s32 $0xFFFFD880  }
0x5a: {  	_ =	sfence.sel $0x180000  }
0x5b: {  	[bflag:$0x0] =	sbarrier.arrive $0xFFFF  }
0x5c: {  	p0 =	sne.s32 s1, $0x0;
	_ =	strace $0x90000047  }
0x5d: {  	s0 =	sadd.s32 @!p0 $0x100000, s0;
	[bflag:$0x2] =	sbarrier.arrive $0xFFFF  }
0x5e: {  	[sflag:s0] =	ssyncadd.tile.s32 @!p0 $0x1;
	_ =	shalt  }
.Lfunc_end2:
_tile_overlayer_lowered:
.L_overlay_start_2:
0x5f: {  	(tag) =	ssettag $0x2  }
0x60: {  	s0 =	rddreg [dreg:$0x0];
	s2 =	stileid.u32  }
0x61: {  	s1 =	rddreg [dreg:$0x1];
	p0 =	sne.s32 s2, $0x0  }
0x62: {  	s3 =	rddreg [dreg:$0x2];
	[bflag:$0x3] =	sbarrier.arrive $0xFFFF;
	s2 =	simm.s32 @!p0 $0x1C02  }
0x63: {  	[timem:s3], [sflag:s2] =	dma.local @!p0 [hbm:s0], s1  }
0x64: {  	s0 =	simm.s32 @!p0 $0x2  }
0x65: {  	_ =	swait.ge @!p0 [sflag:s0], s1  }
0x66: {  	s1 =	ssub.s32 @!p0 $0x0, s1;
	[sflag:s0] =	ssyncset.done @!p0 $0x0  }
0x67: {  	[sflag:s0] =	ssyncadd.s32 @!p0 s1  }
0x68: {  	[bflag:$0x3] =	sbarrier.arrive $0xFFFF  }
0x69: {  	_ =	shalt  }

// kernel: kernel.9.cloned.1.call-start
scs
__scs_entry_jumppad:
0x0: {  	(pc) =	sbr.rel $0x88, $3  }
0x1: {  	(tag) =	ssettag $0x0;
	lr =	simm.s32 $0x1  }
0x2: {  	[smem:$0x3F97] =	sst lr;
	_ =	strace $0xD0000000  }
0x3: {  	_ = 	snop  }
0x4: {  	_ = 	snop  }
0x5: {  	_ = 	snop  }
0x6: {  	_ = 	snop  }
0x7: {  	_ = 	snop  }
__scs_overlays_trampoline_lowered:
0x8: {  	[smem:$0x3FA6] =	sst s0  }
0x9: {  	[smem:$0x3FA7] =	sst s1  }
0xa: {  	[smem:$0x3FA8] =	sst s2  }
0xb: {  	[smem:$0x3FA9] =	sst s3  }
0xc: {  	[smem:$0x3FAA] =	sst s4  }
0xd: {  	[smem:$0x3FAB] =	sst s5  }
0xe: {  	[smem:$0x3FAC] =	sst s6  }
0xf: {  	[smem:$0x3FAD] =	sst s7  }
0x10: {  	[smem:$0x3FAE] =	sst s8  }
0x11: {  	[smem:$0x3FAF] =	sst s9;
	s0 =	simm.s32 @!p0 $0x0  }
0x12: {  	s1 =	sld [smem:$0x3F95];
	s0 =	simm.s32 @p0 $0x1  }
0x13: {  	[smem:$0x3FB0] =	sst s0;
	s0 =	simm.s32 @!p1 $0x0  }
0x14: {  	s2 =	sld [smem:$0x3F94];
	s0 =	simm.s32 @p1 $0x1  }
0x15: {  	[smem:$0x3FB1] =	sst s0;
	s0 =	simm.s32 @!p2 $0x0  }
0x16: {  	s3 =	sld [smem:$0x3FDB];
	s0 =	simm.s32 @p2 $0x1  }
0x17: {  	s4 =	simm.s32 $0x1BF5;
	[smem:$0x3FB3] =	sst s0  }
0x18: {  	s0 =	sld [smem:$0x3F96];
	_ =	swait.ge [sflag:s4], $0x0  }
0x19: {  	s7 =	sld [smem:$0x3F97]  }
0x1a: {  	s8 =	sadd.s32 $0xFFFFE003, lr  }
0x1b: {  	s9 =	sadd.s32 $0xFFFFFEF7, lr;
	s5 =	simm.s32 $0xFFFFFFFF;
	p2 =	slt.u32 s8, $0xFFFFF086  }
0x1c: {  	p1 =	slt.u32 s9, $0xF7A;
	s5 =	simm.s32 @!p2 $0x0  }
0x1d: {  	s5 =	simm.s32 @p1 $0x1;
	p0 =	seq.s32 s7, s2  }
0x1e: {  	s7 =	smul.u32 @!p0 $0xF7A, s2;
	p2 =	seq.s32 @!p0 s5, $0x0  }
0x1f: {  	s9 =	smul.u32 $0xF7A, s1;
	s8 =	simm.s32 @!p0 $0x1BF5;
	p2 =	por !p2, p0  }
0x20: {  	[sflag:s8] =	ssyncset.s32 @!p0 $0xFFFFF086;
	s6 =	sadd.s32 @!p0 s3, s7;
	s7 =	simm.s32 @!p0 $0x108  }
0x21: {  	s3 =	sadd.s32 s3, s9;
	s6 =	sadd.s32 @!p0 $0x88, s6;
	s7 =	simm.s32 @p2 $0x1082  }
0x22: {  	[simem:s7], [sflag:s8] =	dma.local @!p0 [hbm:s6], $0xF7A  }
0x23: {  	s9 =	sor.u32 $0xD0000000, s2;
	s6 =	simm.s32 $0x108;
	_ =	swait.ge @!p0 [sflag:s8], $0x0  }
0x24: {  	s3 =	sadd.s32 $0x88, s3;
	s6 =	simm.s32 @!p1 $0x1082;
	[sflag:s4] =	ssyncset.s32 $0xFFFFF086  }
0x25: {  	[simem:s6], [sflag:s4] =	dma.local [hbm:s3], $0xF7A  }
0x26: {  	[smem:$0x3F97] =	sst s1;
	(tag) =	ssettag s2;
	_ =	strace s9  }
0x27: {  	s1 =	sld [smem:$0x3FA7]  }
0x28: {  	s2 =	sld [smem:$0x3FA8]  }
0x29: {  	s4 =	sld [smem:$0x3FAA]  }
0x2a: {  	p0 =	seq.s32 s5, $0x0;
	s5 =	sld [smem:$0x3FAB]  }
0x2b: {  	s6 =	sld [smem:$0x3FAC]  }
0x2c: {  	s7 =	sld [smem:$0x3FAD]  }
0x2d: {  	s3 =	simm.s32 $0x108;
	s8 =	sld [smem:$0x3FAE]  }
0x2e: {  	s3 =	simm.s32 @!p0 $0x1082;
	s9 =	sld [smem:$0x3FAF]  }
0x2f: {  	lr =	sadd.s32 s0, s3;
	s0 =	sld [smem:$0x3FA6]  }
0x30: {  	s3 =	sld [smem:$0x3FA9]  }
0x31: {  	[smem:$0x3FB2] =	sst s10  }
0x32: {  	s10 =	sld [smem:$0x3FB0];
	_ =	sdelay $0x3  }
0x33: {  	p0 =	seq.s32 s10, $0x1;
	s10 =	sld [smem:$0x3FB2];
	_ =	sdelay $0x3  }
0x34: {  	[smem:$0x3FB2] =	sst s10  }
0x35: {  	s10 =	sld [smem:$0x3FB1];
	_ =	sdelay $0x3  }
0x36: {  	p1 =	seq.s32 s10, $0x1;
	s10 =	sld [smem:$0x3FB2];
	_ =	sdelay $0x3  }
0x37: {  	[smem:$0x3FB2] =	sst s10  }
0x38: {  	s10 =	sld [smem:$0x3FB3]  }
0x39: {  	_ = 	snop;
	(pc) =	sbr.ind lr, $3  }
0x3a: {  	_ = 	snop  }
0x3b: {  	_ = 	snop  }
0x3c: {  	p2 =	seq.s32 s10, $0x1;
	s10 =	sld [smem:$0x3FB2]  }
0x3d: {  	_ =	shalt  }
0x3e: {  	_ =	shalt  }
0x3f: {  	_ =	shalt  }
0x40: {  	_ =	shalt  }
0x41: {  	_ =	shalt  }
0x42: {  	_ =	shalt  }
0x43: {  	_ =	shalt  }
0x44: {  	_ =	shalt  }
0x45: {  	_ =	shalt  }
0x46: {  	_ =	shalt  }
0x47: {  	_ =	shalt  }
0x48: {  	_ =	shalt  }
0x49: {  	_ =	shalt  }
0x4a: {  	_ =	shalt  }
0x4b: {  	_ =	shalt  }
0x4c: {  	_ =	shalt  }
0x4d: {  	_ =	shalt  }
0x4e: {  	_ =	shalt  }
0x4f: {  	_ =	shalt  }
0x50: {  	_ =	shalt  }
0x51: {  	_ =	shalt  }
0x52: {  	_ =	shalt  }
0x53: {  	_ =	shalt  }
0x54: {  	_ =	shalt  }
0x55: {  	_ =	shalt  }
0x56: {  	_ =	shalt  }
0x57: {  	_ =	shalt  }
0x58: {  	_ =	shalt  }
0x59: {  	_ =	shalt  }
0x5a: {  	_ =	shalt  }
0x5b: {  	_ =	shalt  }
0x5c: {  	_ =	shalt  }
0x5d: {  	_ =	shalt  }
0x5e: {  	_ =	shalt  }
0x5f: {  	_ =	shalt  }
0x60: {  	_ =	shalt  }
0x61: {  	_ =	shalt  }
0x62: {  	_ =	shalt  }
0x63: {  	_ =	shalt  }
0x64: {  	_ =	shalt  }
0x65: {  	_ =	shalt  }
0x66: {  	_ =	shalt  }
0x67: {  	_ =	shalt  }
0x68: {  	_ =	shalt  }
0x69: {  	_ =	shalt  }
0x6a: {  	_ =	shalt  }
0x6b: {  	_ =	shalt  }
0x6c: {  	_ =	shalt  }
0x6d: {  	_ =	shalt  }
0x6e: {  	_ =	shalt  }
0x6f: {  	_ =	shalt  }
0x70: {  	_ =	shalt  }
0x71: {  	_ =	shalt  }
0x72: {  	_ =	shalt  }
0x73: {  	_ =	shalt  }
0x74: {  	_ =	shalt  }
0x75: {  	_ =	shalt  }
0x76: {  	_ =	shalt  }
0x77: {  	_ =	shalt  }
0x78: {  	_ =	shalt  }
0x79: {  	_ =	shalt  }
0x7a: {  	_ =	shalt  }
0x7b: {  	_ =	shalt  }
0x7c: {  	_ =	shalt  }
0x7d: {  	_ =	shalt  }
0x7e: {  	_ =	shalt  }
0x7f: {  	_ =	shalt  }
0x80: {  	_ =	shalt  }
0x81: {  	_ =	shalt  }
0x82: {  	_ =	shalt  }
0x83: {  	_ =	shalt  }
0x84: {  	_ =	shalt  }
0x85: {  	_ =	shalt  }
0x86: {  	_ =	shalt  }
0x87: {  	_ =	shalt  }
.Lfunc_end0:
.L_simem_size_0:
called_computation.1_lowered:
.L_overlay_start_0:
0x88: {  	s2 =	sld [smem:$0x3FD9]  }
0x89: {  	s3 =	sld [smem:$0x3FFE];
	_ =	sdelay $0x1  }
0x8a: {  	s1 =	srdreg.scid  }
0x8b: {  	s0 =	sand.u32 $0x1, s1  }
0x8c: {  	s17 =	sshll.u32 s0, $0xA;
	s2 =	sadd.s32 s3, s2  }
0x8d: {  	s2 =	sadd.s32 s2, s17  }
0x8e: {  	[smem:$0x3FBE] =	sst s2  }
0x8f: {  	_ = 	snop  }
0x90: {  	s2 =	sld [smem:$0x3FD0];
	(tm) =	ssettm $0x1  }
0x91: {  	s18 =	sld [smem:$0x3FFB];
	_ =	sdelay $0x3  }
0x92: {  	_ =	strace s18  }
0x93: {  	s3 =	sld [smem:$0x3FFC];
	_ =	sdelay $0x3  }
0x94: {  	_ =	strace s3  }
0x95: {  	s3 =	sld [smem:$0x3FFD];
	_ =	sdelay $0x3  }
0x96: {  	_ =	strace s3  }
0x97: {  	_ =	strace $0x8FFFFFFF  }
0x98: {  	s19 =	sld [smem:$0x3FDB];
	_ =	sdelay $0x1  }
0x99: {  	s4 =	simm.s32 $_scs_section_size  }
0x9a: {  	s5 =	simm.s32 $_size__tile_overlayer_lowered;
	s6 =	simm.s32 $_tile_overlayer_lowered  }
0x9b: {  	s22 =	simm.s32 $0x1BFF;
	s21 =	sshll.u32 s6, $0x1;
	s3 =	sadd.s32 s4, s19  }
0x9c: {  	s7 =	simm.s32 $0x0;
	s20 =	sshll.u32 s5, $0x1;
	s5 =	sadd.s32 s21, s3  }
0x9d: {  	[timem:s7], [sflag:s22] =	dma.local [hbm:s5], s20  }
0x9e: {  	_ =	swait.ge [sflag:s22], s20  }
0x9f: {  	s4 =	ssub.s32 $0x0, s20;
	[sflag:s22] =	ssyncset.done $0x0  }
0xa0: {  	[sflag:s22] =	ssyncadd.s32 s4;
	_ =	sdelay $0x1  }
0xa1: {  	s23 =	simm.s32 $0x1B8B  }
0xa2: {  	_ =	swait.ge [sflag:s23], $0x1  }
0xa3: {  	[sflag:s23] =	ssyncset.done $0x0  }
0xa4: {  	s25 =	simm.s32 $0x1B8E;
	s24 =	sld [smem:$0x3FFE];
	[sflag:s23] =	ssyncadd.s32 $0xFFFFFFFF  }
0xa5: {  	s26 =	simm.s32 $execute0_lowered;
	[smem:$0x3FD2] =	sst s25  }
0xa6: {  	s5 =	sshll.u32 s26, $0x1;
	_ =	strace $0x80000049;
	[dreg:$0x1] =	wrdreg $0xFFFFFFFF  }
0xa7: {  	s28 =	simm.s32 $_size_execute0_lowered;
	s3 =	sadd.s32 s3, s5;
	[dreg:$0x0] =	wrdreg $0x0  }
0xa8: {  	s5 =	sshll.u32 s28, $0x1;
	[dreg:$0x2] =	wrdreg s3  }
0xa9: {  	[dreg:$0x3] =	wrdreg s5  }
0xaa: {  	[dreg:$0x4] =	wrdreg $0xC0  }
0xab: {  	_ =	task [dreg:s7], $0x5FFFF  }
0xac: {  	[dreg:$0x1] =	wrdreg $0xFFFFFFFF  }
0xad: {  	[dreg:$0x0] =	wrdreg $0x60  }
0xae: {  	[dreg:$0x2] =	wrdreg s24  }
0xaf: {  	[dreg:$0x3] =	wrdreg s2  }
0xb0: {  	[dreg:$0x4] =	wrdreg $0x41000  }
0xb1: {  	[dreg:$0x5] =	wrdreg $0x9  }
0xb2: {  	_ =	task.clear_ibuf [dreg:s7], $0x6FFFF;
	_ =	strace $0x90000049  }
0xb3: {  	s29 =	simm.s32 $0x9;
	_ =	strace $0x8000004B  }
0xb4: {  	_ =	swait.ge [sflag:s29], $0x1  }
0xb5: {  	[sflag:s29] =	ssyncadd.s32 $0xFFFFFFFF  }
0xb6: {  	_ =	strace $0x9000004B  }
0xb7: {  	_ =	sfence  }
0xb8: {  	s30 =	sld [smem:$0x0];
	_ =	sdelay $0x2  }
0xb9: {  	s31 =	sshll.u32 s1, $0xD;
	s1 =	sshrl.u32 s1, $0x2  }
0xba: {  	s3 =	sand.u32 $0x4000, s31;
	s1 =	sadd.s32 s1, s30  }
0xbb: {  	s0 =	sor.u32 s3, s0;
	s1 =	sshll.u32 s1, $0x11  }
0xbc: {  	s0 =	sor.u32 s1, s0  }
0xbd: {  	s0 =	sadd.s32 $0x8F2B, s0  }
0xbe: {  	[sflag:s0] =	ssyncadd.remote.s32 $0x1  }
0xbf: {  	_ =	sfence.sel $0xFFFF  }
0xc0: {  	[dreg:$0x0] =	wrdreg $0xFFFFFFFF;
	(pc) =	sbr.abs _section_cstart, $3  }
0xc1: {  	[dreg:$0x1] =	wrdreg $0xFFFFFFFF  }
0xc2: {  	_ =	task.clear_ibuf [dreg:s7], $0x2FFFF;
	_ =	strace $0x9FFFFFFF  }
0xc3: {  	(tm) =	ssettm $0x7FFFFFFF  }
tec
execute0_lowered:
.L_overlay_start_1:
0x0: {  	(tag) =	ssettag $0x1  }
0x1: {  	s5 =	rddreg [dreg:$0x0]  }
0x2: {  	s10 =	rddreg [dreg:$0x1]  }
0x3: {  	s2 =	rddreg [dreg:$0x2]  }
0x4: {  	s0 =	rddreg [dreg:$0x3]  }
0x5: {  	s1 =	stileid.u32;
	s3 =	simm.s32 $0x0;
	s4 =	srdreg.scid  }
0x6: {  	s16 =	simm.s32 $0x0;
	s11 =	smul.u32 $0x4F0, s1;
	[smem:$0x7FF] =	sst s3  }
0x7: {  	s6 =	smul.u32 $0x2780, s1;
	s14 =	sand.u32 $0x1, s4;
	s4 =	sadd.s32 $0x2000, s5  }
0x8: {  	s8 =	smul.u32 $0x4F000, s1;
	s31 =	sshll.u32 s1, $0x6;
	_ =	strace $0x8000004A  }
0x9: {  	s7 =	smul.u32 $0x27800, s14;
	s26 =	ssub.s32 $0x2, s14;
	v0 =	vmov s14;
	s14 =	simm.s32 $0x100  }
0xa: {  	s9 =	sadd.s32 s11, s5;
	s12 =	sadd.s32 s6, s5;
	s28 =	sshrl.u32 s26, $0x1  }
0xb: {  	s29 =	sshrl.u32 s8, $0x2;
	s10 =	sadd.s32 s11, s10;
	s6 =	sadd.s32 s6, s7  }
0xc: {  	s30 =	ssub.s32 s26, s28;
	s15 =	sadd.s32 s29, s2;
	s9 =	sadd.s32 $0x50200, s9  }
0xd: {  	s13 =	sadd.s32 s6, s5;
	s5 =	sadd.s32 $0x55200, s12;
	s6 =	sor.u32 $0x1C02, s31  }
0xe: {  	s8 =	smax.u32 s30, $0x1;
	s11 =	sshrl.u32 s15, $0x3;
	s12 =	simm.s32 $0x2  }
0xf: {  	s15 =	simm.s32 $0x1;
	s7 =	sadd.s32 $0x7CA00, s13;
	s13 =	simm.s32 $0x80  }
.LBB2_1:
0x10: {  	[spmem:s11], [sflag:s6] =	dma.local [hbm:s5], $0x2780  }
0x11: {  	_ =	swait.ge [sflag:s12], $0x2780  }
0x12: {  	[sflag:s12] =	ssyncset.done $0x0  }
0x13: {  	[sflag:s12] =	ssyncadd.s32 $0xFFFFD880  }
0x14: {  	s17 =	sadd.s32 $0x0, s10;
	[bflag:$0x0] =	sbarrier.arrive $0xFFFF  }
0x15: {  	[tilespmem:s3], [sflag:$0x2] =	stream.linear.gather [hbm4b:s17+s3], $0x80, $0x38;
	[tilespmem:$0x17D00] =	vst v63  }
0x16: {  	_ =	swait.ge [sflag:s12], $0x80  }
0x17: {  	[sflag:s12] =	ssyncset.done $0x0  }
0x18: {  	[sflag:s12] =	ssyncadd.s32 $0xFFFFFF80  }
0x19: {  	v1 =	vld [tilespmem:$0x70]  }
0x1a: {  	v2 =	vld [tilespmem:$0x60]  }
0x1b: {  	v3 =	vld [tilespmem:$0x50]  }
0x1c: {  	v4 =	vld [tilespmem:$0x30]  }
0x1d: {  	v5 =	vld [tilespmem:$0x20]  }
0x1e: {  	v6 =	vld [tilespmem:$0x10];
	v1 =	vshll.u32 v1, $0x1  }
0x1f: {  	v7 =	vld [tilespmem:$0x40];
	v2 =	vshll.u32 v2, $0x1;
	v1 =	vor.u32 v0, v1  }
0x20: {  	v8 =	vld [tilespmem:$0x0];
	v3 =	vshll.u32 v3, $0x1;
	v2 =	vor.u32 v0, v2;
	[tilespmem:$0x70] =	vst v1  }
0x21: {  	v3 =	vor.u32 v0, v3;
	v1 =	vshll.u32 v4, $0x1;
	[tilespmem:$0x60] =	vst v2  }
0x22: {  	v2 =	vshll.u32 v5, $0x1;
	[tilespmem:$0x50] =	vst v3;
	v1 =	vor.u32 v0, v1  }
0x23: {  	v3 =	vshll.u32 v6, $0x1;
	v2 =	vor.u32 v0, v2;
	[tilespmem:$0x30] =	vst v1  }
0x24: {  	v1 =	vor.u32 v0, v3;
	[tilespmem:$0x20] =	vst v2;
	v2 =	vshll.u32 v7, $0x1  }
0x25: {  	v3 =	vshll.u32 v8, $0x1;
	[tilespmem:$0x10] =	vst v1;
	v1 =	vor.u32 v0, v2  }
0x26: {  	v2 =	vor.u32 v0, v3;
	[tilespmem:$0x40] =	vst v1  }
0x27: {  	s31 =	sadd.s32 $0x0, s9;
	[tilespmem:$0x0] =	vst v2  }
0x28: {  	[tilespmem:s13], [sflag:$0x2] =	stream.linear.gather [hbm4b:s31+s3], $0x80, $0x38;
	[tilespmem:$0x17D00] =	vst v63  }
0x29: {  	_ =	swait.ge [sflag:s12], $0x80  }
0x2a: {  	[sflag:s12] =	ssyncset.done $0x0  }
0x2b: {  	s17 =	simm.s32 $0x10;
	[sflag:s12] =	ssyncadd.s32 $0xFFFFFF80  }
.LBB2_2:
0x2c: {  	[tilespmem:s14], [sflag:$0x1] =	stream.indirect.gather [hbm4b:s4+s13], $0x80, s3, s13, $0xb8;
	[tilespmem:$0x17D00] =	vst v63  }
0x2d: {  	s18 =	smov.u32 s17  }
0x2e: {  	p0 =	sne.s32 s17, $0x4E0;
	s17 =	sadd.s32 $0x10, s17;
	_ =	swait.ge [sflag:s15], $0x4000  }
0x2f: {  	[sflag:s15] =	ssyncset.done $0x0  }
0x30: {  	[sflag:s15] =	ssyncadd.s32 $0xFFFFC000  }
0x31: {  	[spmem:s2] =	stream.indirect.scatter.add.f32 [tilespmem:s14], [sflag:$0x2], $0x80, s13, s13, $0xb8;
	[tilespmem:$0x17D00] =	vst v63  }
0x32: {  	_ =	swait.ge [sflag:s12], $0x4000  }
0x33: {  	[sflag:s12] =	ssyncset.done $0x0  }
0x34: {  	[sflag:s12] =	ssyncadd.s32 $0xFFFFC000  }
0x35: {  	s19 =	sadd.s32 s18, s10  }
0x36: {  	[tilespmem:s3], [sflag:$0x2] =	stream.linear.gather [hbm4b:s19+s3], $0x80, $0x38;
	[tilespmem:$0x17D00] =	vst v63  }
0x37: {  	_ =	swait.ge [sflag:s12], $0x80  }
0x38: {  	[sflag:s12] =	ssyncset.done $0x0  }
0x39: {  	[sflag:s12] =	ssyncadd.s32 $0xFFFFFF80  }
0x3a: {  	v1 =	vld [tilespmem:$0x70]  }
0x3b: {  	v2 =	vld [tilespmem:$0x60]  }
0x3c: {  	v3 =	vld [tilespmem:$0x50]  }
0x3d: {  	v4 =	vld [tilespmem:$0x30]  }
0x3e: {  	v5 =	vld [tilespmem:$0x20]  }
0x3f: {  	v6 =	vld [tilespmem:$0x10];
	v1 =	vshll.u32 v1, $0x1  }
0x40: {  	v7 =	vld [tilespmem:$0x40];
	v2 =	vshll.u32 v2, $0x1;
	v1 =	vor.u32 v0, v1  }
0x41: {  	v8 =	vld [tilespmem:$0x0];
	v3 =	vshll.u32 v3, $0x1;
	v2 =	vor.u32 v0, v2;
	[tilespmem:$0x70] =	vst v1  }
0x42: {  	v1 =	vshll.u32 v4, $0x1;
	v3 =	vor.u32 v0, v3;
	[tilespmem:$0x60] =	vst v2  }
0x43: {  	v2 =	vshll.u32 v5, $0x1;
	v1 =	vor.u32 v0, v1;
	[tilespmem:$0x50] =	vst v3  }
0x44: {  	v3 =	vshll.u32 v6, $0x1;
	v2 =	vor.u32 v0, v2;
	[tilespmem:$0x30] =	vst v1  }
0x45: {  	v1 =	vor.u32 v0, v3;
	[tilespmem:$0x20] =	vst v2;
	v2 =	vshll.u32 v7, $0x1  }
0x46: {  	v3 =	vshll.u32 v8, $0x1;
	[tilespmem:$0x10] =	vst v1;
	v1 =	vor.u32 v0, v2  }
0x47: {  	v2 =	vor.u32 v0, v3;
	[tilespmem:$0x40] =	vst v1  }
.Ltmp0:
0x48: {  	s18 =	sadd.s32 s18, s9;
	[tilespmem:$0x0] =	vst v2;
	(pc) =	sbr.rel @p0 .LBB2_2-.Ltmp0, $4  }
0x49: {  	[tilespmem:s13], [sflag:$0x2] =	stream.linear.gather [hbm4b:s18+s3], $0x80, $0x38;
	[tilespmem:$0x17D00] =	vst v63  }
0x4a: {  	_ =	swait.ge [sflag:s12], $0x80  }
0x4b: {  	[sflag:s12] =	ssyncset.done $0x0  }
0x4c: {  	[sflag:s12] =	ssyncadd.s32 $0xFFFFFF80  }
0x4d: {  	[tilespmem:s14], [sflag:$0x1] =	stream.indirect.gather [hbm4b:s4+s13], $0x80, s3, s13, $0xb8;
	[tilespmem:$0x17D00] =	vst v63  }
0x4e: {  	_ =	swait.ge [sflag:s15], $0x4000  }
0x4f: {  	[sflag:s15] =	ssyncset.done $0x0  }
0x50: {  	[sflag:s15] =	ssyncadd.s32 $0xFFFFC000  }
0x51: {  	[spmem:s2] =	stream.indirect.scatter.add.f32 [tilespmem:s14], [sflag:$0x2], $0x80, s13, s13, $0xb8;
	[tilespmem:$0x17D00] =	vst v63  }
0x52: {  	_ =	swait.ge [sflag:s12], $0x4000  }
0x53: {  	s16 =	sadd.s32 $0x1, s16;
	[sflag:s12] =	ssyncset.done $0x0  }
0x54: {  	p0 =	sne.s32 s16, s8;
	[sflag:s12] =	ssyncadd.s32 $0xFFFFC000  }
.Ltmp1:
0x55: {  	[bflag:$0x0] =	sbarrier.arrive $0xFFFF;
	(pc) =	sbr.rel @p0 .LBB2_1-.Ltmp1, $4  }
0x56: {  	[hbm:s7], [sflag:s6] =	dma.local [spmem:s11], $0x2780  }
0x57: {  	_ =	swait.ge [sflag:s12], $0x2780  }
0x58: {  	[sflag:s12] =	ssyncset.done $0x0  }
0x59: {  	[sflag:s12] =	ssyncadd.s32 $0xFFFFD880  }
0x5a: {  	_ =	sfence.sel $0x180000  }
0x5b: {  	[bflag:$0x0] =	sbarrier.arrive $0xFFFF  }
0x5c: {  	p0 =	sne.s32 s1, $0x0;
	_ =	strace $0x9000004A  }
0x5d: {  	s0 =	sadd.s32 @!p0 $0x100000, s0;
	[bflag:$0x2] =	sbarrier.arrive $0xFFFF  }
0x5e: {  	[sflag:s0] =	ssyncadd.tile.s32 @!p0 $0x1;
	_ =	shalt  }
.Lfunc_end2:
_tile_overlayer_lowered:
.L_overlay_start_2:
0x5f: {  	(tag) =	ssettag $0x2  }
0x60: {  	s0 =	rddreg [dreg:$0x0];
	s2 =	stileid.u32  }
0x61: {  	s1 =	rddreg [dreg:$0x1];
	p0 =	sne.s32 s2, $0x0  }
0x62: {  	s3 =	rddreg [dreg:$0x2];
	[bflag:$0x3] =	sbarrier.arrive $0xFFFF;
	s2 =	simm.s32 @!p0 $0x1C02  }
0x63: {  	[timem:s3], [sflag:s2] =	dma.local @!p0 [hbm:s0], s1  }
0x64: {  	s0 =	simm.s32 @!p0 $0x2  }
0x65: {  	_ =	swait.ge @!p0 [sflag:s0], s1  }
0x66: {  	s1 =	ssub.s32 @!p0 $0x0, s1;
	[sflag:s0] =	ssyncset.done @!p0 $0x0  }
0x67: {  	[sflag:s0] =	ssyncadd.s32 @!p0 s1  }
0x68: {  	[bflag:$0x3] =	sbarrier.arrive $0xFFFF  }
0x69: {  	_ =	shalt  }

</sc_bundles>
